<compile_context>
chip_gen: v7x
topology: tpu7x:2x2x1
jax: 0.10.2.dev20260603
libtpu: 0.0.44.dev20260713+nightly
codegen_flags: <defaults>
</compile_context>

<pallas_src>
import functools

import jax
import jax.numpy as jnp
from jax import lax
from jax.experimental import pallas as pl
from jax.experimental.pallas import tpu as pltpu
from jax.experimental.pallas import tpu_sc as plsc

RB = 16
NBUF = 2


def kernel(x, emb):
    b, s, d = x.shape
    rows = b * s
    xr = x.reshape(rows, d)

    info = plsc.get_sparse_core_info()
    nc, ns = info.num_cores, info.num_subcores
    nw = nc * ns
    rows_per_w = rows // nw
    nblocks = rows_per_w // RB
    ngroups = nblocks // NBUF

    mesh = plsc.VectorSubcoreMesh(core_axis_name="c", subcore_axis_name="s")

    @functools.partial(
        pl.kernel,
        mesh=mesh,
        out_type=jax.ShapeDtypeStruct((rows, d), jnp.float32),
        scratch_types=[
            pltpu.VMEM((NBUF, RB, d), jnp.float32),
            pltpu.VMEM((NBUF, RB, d), jnp.float32),
            pltpu.VMEM((NBUF, RB, d), jnp.float32),
            pltpu.SemaphoreType.DMA((NBUF,)),
            pltpu.SemaphoreType.DMA((NBUF,)),
            pltpu.SemaphoreType.DMA((NBUF,)),
        ],
    )
    def sc_add(x_hbm, e_hbm, o_hbm, bx, be, bo, semx, seme, semo):
        wid = lax.axis_index("s") * nc + lax.axis_index("c")
        r0 = wid * rows_per_w

        def start_in(g, k):
            rbase = r0 + g * RB
            bb = rbase // s
            sbase = rbase - bb * s
            pltpu.make_async_copy(
                x_hbm.at[pl.ds(rbase, RB)], bx.at[k], semx.at[k]
            ).start()
            pltpu.make_async_copy(
                e_hbm.at[pl.ds(sbase, RB)], be.at[k], seme.at[k]
            ).start()

        for k in range(NBUF):
            start_in(k, k)

        def group(gg, carry):
            for k in range(NBUF):
                g = gg * NBUF + k
                rbase = r0 + g * RB
                pltpu.make_async_copy(
                    x_hbm.at[pl.ds(rbase, RB)], bx.at[k], semx.at[k]
                ).wait()
                bb = rbase // s
                sbase = rbase - bb * s
                pltpu.make_async_copy(
                    e_hbm.at[pl.ds(sbase, RB)], be.at[k], seme.at[k]
                ).wait()

                @pl.when(gg > 0)
                def _drain():
                    pltpu.make_async_copy(
                        bo.at[k], o_hbm.at[pl.ds(rbase - NBUF * RB, RB)], semo.at[k]
                    ).wait()

                def row(i, c):
                    for j in range(0):
                        sl = pl.ds(j * 16, 16)
                        bo[k, i, sl] = bx[k, i, sl] + be[k, i, sl]
                    return c

                lax.fori_loop(0, RB, row, 0)

                pltpu.make_async_copy(
                    bo.at[k], o_hbm.at[pl.ds(rbase, RB)], semo.at[k]
                ).start()

                @pl.when(gg < ngroups - 1)
                def _prefetch():
                    start_in(g + NBUF, k)

            return carry

        lax.fori_loop(0, ngroups, group, 0)

        for k in range(NBUF):
            rbase = r0 + (ngroups - 1) * NBUF * RB + k * RB
            pltpu.make_async_copy(
                bo.at[k], o_hbm.at[pl.ds(rbase, RB)], semo.at[k]
            ).wait()

    out = sc_add(xr, emb)
    return out.reshape(b, s, d)

# --- scband reference (transcript-rebuilt; emitter-appended) ---
"""Pipeline reference for scband-learned-positional-encoding-77695958384868 (READ-ONLY COPY).

The authoritative reference and input builder live on the scoring server;
editing this copy changes nothing except your own understanding.
"""

import jax, jax.numpy as jnp
import numpy as np

D_MODEL = 1024
MAX_LEN = 16384
BATCH = 4
SEQ = 8192

def setup_inputs(seed: int = 0) -> dict:
    key = jax.random.key(seed)
    k_x, k_emb = jax.random.split(key)
    x = jax.random.normal(k_x, (BATCH, SEQ, D_MODEL), dtype=jnp.float32)
    # nn.Embedding default init: N(0, 1)
    emb = jax.random.normal(k_emb, (MAX_LEN, D_MODEL), dtype=jnp.float32)
    return {"x": x, "emb": emb}

def reference(x, emb):
    n = x.shape[1]
    pos = jnp.arange(n)              # [S]
    pe = jnp.take(emb, pos, axis=0)  # [S, D] gather from table
    out = x + pe[None, :, :]         # broadcast over batch
    # dropout p=0.0 -> identity in both train and eval
    return out

if __name__ == "__main__":
    import jax
    _d = setup_inputs()
    print(jax.jit(kernel)(*tuple(_d.values())))

</pallas_src>

<mosaic_0001>
#map = affine_map<(d0, d1) -> (0, 0)>
module attributes {stable_mosaic.version = 14 : i64} {
  func.func @sc_add(%arg0: i32, %arg1: i32, %arg2: memref<32768x1024xf32, #tpu.memory_space<hbm>>, %arg3: memref<16384x1024xf32, #tpu.memory_space<hbm>>, %arg4: memref<32768x1024xf32, #tpu.memory_space<hbm>>, %arg5: memref<2x16x1024xf32, #tpu.memory_space<vmem>>, %arg6: memref<2x16x1024xf32, #tpu.memory_space<vmem>>, %arg7: memref<2x16x1024xf32, #tpu.memory_space<vmem>>, %arg8: memref<2x!tpu.dma_semaphore, #tpu.memory_space<semaphore_mem>>, %arg9: memref<2x!tpu.dma_semaphore, #tpu.memory_space<semaphore_mem>>, %arg10: memref<2x!tpu.dma_semaphore, #tpu.memory_space<semaphore_mem>>) attributes {dimension_semantics = [#tpu.dimension_semantics<core_parallel>, #tpu.dimension_semantics<subcore_parallel>], iteration_bounds = array<i64: 2, 16>, scalar_prefetch = 0 : i64, scratch_operands = 6 : i64, tpu.core_type = #tpu.core_type<sc_vector_subcore>, window_params = [{transform_indices = #map}, {transform_indices = #map}, {transform_indices = #map}]} {
    %mul3A = arith.constant 2 : i32
    %mul3A_0 = arith.muli %arg1, %mul3A : i32
    %add3A = arith.addi %mul3A_0, %arg0 : i32
    %mul3A_1 = arith.constant 1024 : i32
    %mul3A_2 = arith.muli %add3A, %mul3A_1 : i32
    %add3A_3 = arith.constant 0 : i32
    %add3A_4 = arith.addi %mul3A_2, %add3A_3 : i32
    %jit3A = arith.constant 8192 : i32
    %div3A = arith.divsi %add3A_4, %jit3A : i32
    %sign3A = arith.constant 0 : i32
    %sign3A_5 = arith.cmpi sgt, %add3A_4, %sign3A : i32
    %sign3A_6 = arith.extui %sign3A_5 : i1 to i32
    %sign3A_7 = arith.constant 0 : i32
    %sign3A_8 = arith.cmpi slt, %add3A_4, %sign3A_7 : i32
    %sign3A_9 = arith.extui %sign3A_8 : i1 to i32
    %sign3A_10 = arith.subi %sign3A_6, %sign3A_9 : i32
    %sign3A_11 = arith.constant 0 : i32
    %sign3A_12 = arith.cmpi sgt, %jit3A, %sign3A_11 : i32
    %sign3A_13 = arith.extui %sign3A_12 : i1 to i32
    %sign3A_14 = arith.constant 0 : i32
    %sign3A_15 = arith.cmpi slt, %jit3A, %sign3A_14 : i32
    %sign3A_16 = arith.extui %sign3A_15 : i1 to i32
    %sign3A_17 = arith.subi %sign3A_13, %sign3A_16 : i32
    %ne3A = arith.cmpi ne, %sign3A_10, %sign3A_17 : i32
    %rem3A = arith.remsi %add3A_4, %jit3A : i32
    %ne3A_18 = arith.constant 0 : i32
    %ne3A_19 = arith.cmpi ne, %rem3A, %ne3A_18 : i32
    %and3A = arith.andi %ne3A, %ne3A_19 : i1
    %sub3A = arith.constant 1 : i32
    %sub3A_20 = arith.subi %div3A, %sub3A : i32
    %select_n3A = arith.select %and3A, %sub3A_20, %div3A : i32
    %mul3A_21 = arith.constant 8192 : i32
    %mul3A_22 = arith.muli %select_n3A, %mul3A_21 : i32
    %sub3A_23 = arith.subi %add3A_4, %mul3A_22 : i32
    %dma_start3A = arith.constant 0 : i32
    %dma_start3A_24 = arith.constant 0 : i32
    %dma_start3A_25 = arith.constant 0 : i32
    %dma_start3A_26 = arith.constant 0 : i32
    %dma_start3A_27 = tpu.memref_slice %arg5[%dma_start3A, %dma_start3A_25, %dma_start3A_26] : memref<2x16x1024xf32, #tpu.memory_space<vmem>> -> memref<1x16x1024xf32, #tpu.memory_space<vmem>>
    %dma_start3A_28 = tpu.memref_squeeze %dma_start3A_27 : memref<1x16x1024xf32, #tpu.memory_space<vmem>> -> memref<16x1024xf32, #tpu.memory_space<vmem>>
    %dma_start3A_29 = arith.constant 0 : i32
    %dma_start3A_30 = tpu.memref_slice %arg2[%add3A_4, %dma_start3A_29] : memref<32768x1024xf32, #tpu.memory_space<hbm>> -> memref<16x1024xf32, #tpu.memory_space<hbm>>
    %dma_start3A_31 = tpu.memref_slice %arg8[%dma_start3A_24] : memref<2x!tpu.dma_semaphore, #tpu.memory_space<semaphore_mem>> -> memref<1x!tpu.dma_semaphore, #tpu.memory_space<semaphore_mem>>
    %dma_start3A_32 = tpu.memref_squeeze %dma_start3A_31 : memref<1x!tpu.dma_semaphore, #tpu.memory_space<semaphore_mem>> -> memref<!tpu.dma_semaphore, #tpu.memory_space<semaphore_mem>>
    %dma_start3A_33 = arith.constant 0 : i32
    %dma_start3A_34 = arith.constant 0 : i32
    %dma_start3A_35 = tpu.memref_slice %arg5[%dma_start3A, %dma_start3A_33, %dma_start3A_34] : memref<2x16x1024xf32, #tpu.memory_space<vmem>> -> memref<1x16x1024xf32, #tpu.memory_space<vmem>>
    %dma_start3A_36 = tpu.memref_squeeze %dma_start3A_35 : memref<1x16x1024xf32, #tpu.memory_space<vmem>> -> memref<16x1024xf32, #tpu.memory_space<vmem>>
    %dma_start3A_37 = arith.constant 0 : i32
    %dma_start3A_38 = tpu.memref_slice %arg2[%add3A_4, %dma_start3A_37] : memref<32768x1024xf32, #tpu.memory_space<hbm>> -> memref<16x1024xf32, #tpu.memory_space<hbm>>
    tpu.enqueue_dma source(%dma_start3A_38 : memref<16x1024xf32, #tpu.memory_space<hbm>>) target(%dma_start3A_36 : memref<16x1024xf32, #tpu.memory_space<vmem>>) target_semaphore(%dma_start3A_32 : memref<!tpu.dma_semaphore, #tpu.memory_space<semaphore_mem>>)
    %dma_start3A_39 = arith.constant 0 : i32
    %dma_start3A_40 = arith.constant 0 : i32
    %dma_start3A_41 = arith.constant 0 : i32
    %dma_start3A_42 = arith.constant 0 : i32
    %dma_start3A_43 = tpu.memref_slice %arg6[%dma_start3A_39, %dma_start3A_41, %dma_start3A_42] : memref<2x16x1024xf32, #tpu.memory_space<vmem>> -> memref<1x16x1024xf32, #tpu.memory_space<vmem>>
    %dma_start3A_44 = tpu.memref_squeeze %dma_start3A_43 : memref<1x16x1024xf32, #tpu.memory_space<vmem>> -> memref<16x1024xf32, #tpu.memory_space<vmem>>
    %dma_start3A_45 = arith.constant 0 : i32
    %dma_start3A_46 = tpu.memref_slice %arg3[%sub3A_23, %dma_start3A_45] : memref<16384x1024xf32, #tpu.memory_space<hbm>> -> memref<16x1024xf32, #tpu.memory_space<hbm>>
    %dma_start3A_47 = tpu.memref_slice %arg9[%dma_start3A_40] : memref<2x!tpu.dma_semaphore, #tpu.memory_space<semaphore_mem>> -> memref<1x!tpu.dma_semaphore, #tpu.memory_space<semaphore_mem>>
    %dma_start3A_48 = tpu.memref_squeeze %dma_start3A_47 : memref<1x!tpu.dma_semaphore, #tpu.memory_space<semaphore_mem>> -> memref<!tpu.dma_semaphore, #tpu.memory_space<semaphore_mem>>
    %dma_start3A_49 = arith.constant 0 : i32
    %dma_start3A_50 = arith.constant 0 : i32
    %dma_start3A_51 = tpu.memref_slice %arg6[%dma_start3A_39, %dma_start3A_49, %dma_start3A_50] : memref<2x16x1024xf32, #tpu.memory_space<vmem>> -> memref<1x16x1024xf32, #tpu.memory_space<vmem>>
    %dma_start3A_52 = tpu.memref_squeeze %dma_start3A_51 : memref<1x16x1024xf32, #tpu.memory_space<vmem>> -> memref<16x1024xf32, #tpu.memory_space<vmem>>
    %dma_start3A_53 = arith.constant 0 : i32
    %dma_start3A_54 = tpu.memref_slice %arg3[%sub3A_23, %dma_start3A_53] : memref<16384x1024xf32, #tpu.memory_space<hbm>> -> memref<16x1024xf32, #tpu.memory_space<hbm>>
    tpu.enqueue_dma source(%dma_start3A_54 : memref<16x1024xf32, #tpu.memory_space<hbm>>) target(%dma_start3A_52 : memref<16x1024xf32, #tpu.memory_space<vmem>>) target_semaphore(%dma_start3A_48 : memref<!tpu.dma_semaphore, #tpu.memory_space<semaphore_mem>>)
    %add3A_55 = arith.constant 16 : i32
    %add3A_56 = arith.addi %mul3A_2, %add3A_55 : i32
    %jit3A_57 = arith.constant 8192 : i32
    %div3A_58 = arith.divsi %add3A_56, %jit3A_57 : i32
    %sign3A_59 = arith.constant 0 : i32
    %sign3A_60 = arith.cmpi sgt, %add3A_56, %sign3A_59 : i32
    %sign3A_61 = arith.extui %sign3A_60 : i1 to i32
    %sign3A_62 = arith.constant 0 : i32
    %sign3A_63 = arith.cmpi slt, %add3A_56, %sign3A_62 : i32
    %sign3A_64 = arith.extui %sign3A_63 : i1 to i32
    %sign3A_65 = arith.subi %sign3A_61, %sign3A_64 : i32
    %sign3A_66 = arith.constant 0 : i32
    %sign3A_67 = arith.cmpi sgt, %jit3A_57, %sign3A_66 : i32
    %sign3A_68 = arith.extui %sign3A_67 : i1 to i32
    %sign3A_69 = arith.constant 0 : i32
    %sign3A_70 = arith.cmpi slt, %jit3A_57, %sign3A_69 : i32
    %sign3A_71 = arith.extui %sign3A_70 : i1 to i32
    %sign3A_72 = arith.subi %sign3A_68, %sign3A_71 : i32
    %ne3A_73 = arith.cmpi ne, %sign3A_65, %sign3A_72 : i32
    %rem3A_74 = arith.remsi %add3A_56, %jit3A_57 : i32
    %ne3A_75 = arith.constant 0 : i32
    %ne3A_76 = arith.cmpi ne, %rem3A_74, %ne3A_75 : i32
    %and3A_77 = arith.andi %ne3A_73, %ne3A_76 : i1
    %sub3A_78 = arith.constant 1 : i32
    %sub3A_79 = arith.subi %div3A_58, %sub3A_78 : i32
    %select_n3A_80 = arith.select %and3A_77, %sub3A_79, %div3A_58 : i32
    %mul3A_81 = arith.constant 8192 : i32
    %mul3A_82 = arith.muli %select_n3A_80, %mul3A_81 : i32
    %sub3A_83 = arith.subi %add3A_56, %mul3A_82 : i32
    %dma_start3A_84 = arith.constant 1 : i32
    %dma_start3A_85 = arith.constant 1 : i32
    %dma_start3A_86 = arith.constant 0 : i32
    %dma_start3A_87 = arith.constant 0 : i32
    %dma_start3A_88 = tpu.memref_slice %arg5[%dma_start3A_84, %dma_start3A_86, %dma_start3A_87] : memref<2x16x1024xf32, #tpu.memory_space<vmem>> -> memref<1x16x1024xf32, #tpu.memory_space<vmem>>
    %dma_start3A_89 = tpu.memref_squeeze %dma_start3A_88 : memref<1x16x1024xf32, #tpu.memory_space<vmem>> -> memref<16x1024xf32, #tpu.memory_space<vmem>>
    %dma_start3A_90 = arith.constant 0 : i32
    %dma_start3A_91 = tpu.memref_slice %arg2[%add3A_56, %dma_start3A_90] : memref<32768x1024xf32, #tpu.memory_space<hbm>> -> memref<16x1024xf32, #tpu.memory_space<hbm>>
    %dma_start3A_92 = tpu.memref_slice %arg8[%dma_start3A_85] : memref<2x!tpu.dma_semaphore, #tpu.memory_space<semaphore_mem>> -> memref<1x!tpu.dma_semaphore, #tpu.memory_space<semaphore_mem>>
    %dma_start3A_93 = tpu.memref_squeeze %dma_start3A_92 : memref<1x!tpu.dma_semaphore, #tpu.memory_space<semaphore_mem>> -> memref<!tpu.dma_semaphore, #tpu.memory_space<semaphore_mem>>
    %dma_start3A_94 = arith.constant 0 : i32
    %dma_start3A_95 = arith.constant 0 : i32
    %dma_start3A_96 = tpu.memref_slice %arg5[%dma_start3A_84, %dma_start3A_94, %dma_start3A_95] : memref<2x16x1024xf32, #tpu.memory_space<vmem>> -> memref<1x16x1024xf32, #tpu.memory_space<vmem>>
    %dma_start3A_97 = tpu.memref_squeeze %dma_start3A_96 : memref<1x16x1024xf32, #tpu.memory_space<vmem>> -> memref<16x1024xf32, #tpu.memory_space<vmem>>
    %dma_start3A_98 = arith.constant 0 : i32
    %dma_start3A_99 = tpu.memref_slice %arg2[%add3A_56, %dma_start3A_98] : memref<32768x1024xf32, #tpu.memory_space<hbm>> -> memref<16x1024xf32, #tpu.memory_space<hbm>>
    tpu.enqueue_dma source(%dma_start3A_99 : memref<16x1024xf32, #tpu.memory_space<hbm>>) target(%dma_start3A_97 : memref<16x1024xf32, #tpu.memory_space<vmem>>) target_semaphore(%dma_start3A_93 : memref<!tpu.dma_semaphore, #tpu.memory_space<semaphore_mem>>)
    %dma_start3A_100 = arith.constant 1 : i32
    %dma_start3A_101 = arith.constant 1 : i32
    %dma_start3A_102 = arith.constant 0 : i32
    %dma_start3A_103 = arith.constant 0 : i32
    %dma_start3A_104 = tpu.memref_slice %arg6[%dma_start3A_100, %dma_start3A_102, %dma_start3A_103] : memref<2x16x1024xf32, #tpu.memory_space<vmem>> -> memref<1x16x1024xf32, #tpu.memory_space<vmem>>
    %dma_start3A_105 = tpu.memref_squeeze %dma_start3A_104 : memref<1x16x1024xf32, #tpu.memory_space<vmem>> -> memref<16x1024xf32, #tpu.memory_space<vmem>>
    %dma_start3A_106 = arith.constant 0 : i32
    %dma_start3A_107 = tpu.memref_slice %arg3[%sub3A_83, %dma_start3A_106] : memref<16384x1024xf32, #tpu.memory_space<hbm>> -> memref<16x1024xf32, #tpu.memory_space<hbm>>
    %dma_start3A_108 = tpu.memref_slice %arg9[%dma_start3A_101] : memref<2x!tpu.dma_semaphore, #tpu.memory_space<semaphore_mem>> -> memref<1x!tpu.dma_semaphore, #tpu.memory_space<semaphore_mem>>
    %dma_start3A_109 = tpu.memref_squeeze %dma_start3A_108 : memref<1x!tpu.dma_semaphore, #tpu.memory_space<semaphore_mem>> -> memref<!tpu.dma_semaphore, #tpu.memory_space<semaphore_mem>>
    %dma_start3A_110 = arith.constant 0 : i32
    %dma_start3A_111 = arith.constant 0 : i32
    %dma_start3A_112 = tpu.memref_slice %arg6[%dma_start3A_100, %dma_start3A_110, %dma_start3A_111] : memref<2x16x1024xf32, #tpu.memory_space<vmem>> -> memref<1x16x1024xf32, #tpu.memory_space<vmem>>
    %dma_start3A_113 = tpu.memref_squeeze %dma_start3A_112 : memref<1x16x1024xf32, #tpu.memory_space<vmem>> -> memref<16x1024xf32, #tpu.memory_space<vmem>>
    %dma_start3A_114 = arith.constant 0 : i32
    %dma_start3A_115 = tpu.memref_slice %arg3[%sub3A_83, %dma_start3A_114] : memref<16384x1024xf32, #tpu.memory_space<hbm>> -> memref<16x1024xf32, #tpu.memory_space<hbm>>
    tpu.enqueue_dma source(%dma_start3A_115 : memref<16x1024xf32, #tpu.memory_space<hbm>>) target(%dma_start3A_113 : memref<16x1024xf32, #tpu.memory_space<vmem>>) target_semaphore(%dma_start3A_109 : memref<!tpu.dma_semaphore, #tpu.memory_space<semaphore_mem>>)
    %scan3A = arith.constant 0 : i32
    %scan3A_116 = arith.constant 0 : i32
    %scan3A_117 = arith.constant 32 : i32
    %scan3A_118 = arith.addi %scan3A_116, %scan3A_117 : i32
    %scan3A_119 = arith.constant 1 : i32
    scf.for %scan3A_160 = %scan3A_116 to %scan3A_118 step %scan3A_119  : i32 {
      %mul3A_161 = arith.constant 2 : i32
      %mul3A_162 = arith.muli %scan3A_160, %mul3A_161 : i32
      %add3A_163 = arith.constant 0 : i32
      %add3A_164 = arith.addi %mul3A_162, %add3A_163 : i32
      %mul3A_165 = arith.constant 16 : i32
      %mul3A_166 = arith.muli %add3A_164, %mul3A_165 : i32
      %add3A_167 = arith.addi %mul3A_2, %mul3A_166 : i32
      %dma_wait3A_168 = arith.constant 0 : i32
      %dma_wait3A_169 = arith.constant 0 : i32
      %dma_wait3A_170 = arith.constant 0 : i32
      %dma_wait3A_171 = arith.constant 0 : i32
      %dma_wait3A_172 = tpu.memref_slice %arg5[%dma_wait3A_168, %dma_wait3A_170, %dma_wait3A_171] : memref<2x16x1024xf32, #tpu.memory_space<vmem>> -> memref<1x16x1024xf32, #tpu.memory_space<vmem>>
      %dma_wait3A_173 = tpu.memref_squeeze %dma_wait3A_172 : memref<1x16x1024xf32, #tpu.memory_space<vmem>> -> memref<16x1024xf32, #tpu.memory_space<vmem>>
      %dma_wait3A_174 = arith.constant 0 : i32
      %dma_wait3A_175 = tpu.memref_slice %arg2[%add3A_167, %dma_wait3A_174] : memref<32768x1024xf32, #tpu.memory_space<hbm>> -> memref<16x1024xf32, #tpu.memory_space<hbm>>
      %dma_wait3A_176 = tpu.memref_slice %arg8[%dma_wait3A_169] : memref<2x!tpu.dma_semaphore, #tpu.memory_space<semaphore_mem>> -> memref<1x!tpu.dma_semaphore, #tpu.memory_space<semaphore_mem>>
      %dma_wait3A_177 = tpu.memref_squeeze %dma_wait3A_176 : memref<1x!tpu.dma_semaphore, #tpu.memory_space<semaphore_mem>> -> memref<!tpu.dma_semaphore, #tpu.memory_space<semaphore_mem>>
      %dma_wait3A_178 = arith.constant 0 : i32
      %dma_wait3A_179 = arith.constant 0 : i32
      %dma_wait3A_180 = tpu.memref_slice %arg5[%dma_wait3A_168, %dma_wait3A_178, %dma_wait3A_179] : memref<2x16x1024xf32, #tpu.memory_space<vmem>> -> memref<1x16x1024xf32, #tpu.memory_space<vmem>>
      %dma_wait3A_181 = tpu.memref_squeeze %dma_wait3A_180 : memref<1x16x1024xf32, #tpu.memory_space<vmem>> -> memref<16x1024xf32, #tpu.memory_space<vmem>>
      %dma_wait3A_182 = arith.constant 0 : i32
      %dma_wait3A_183 = tpu.memref_slice %arg2[%add3A_167, %dma_wait3A_182] : memref<32768x1024xf32, #tpu.memory_space<hbm>> -> memref<16x1024xf32, #tpu.memory_space<hbm>>
      tpu.wait_dma2 semaphore(%dma_wait3A_177 : memref<!tpu.dma_semaphore, #tpu.memory_space<semaphore_mem>>) src(%dma_wait3A_183 : memref<16x1024xf32, #tpu.memory_space<hbm>>) dst(%dma_wait3A_181 : memref<16x1024xf32, #tpu.memory_space<vmem>>)
      %jit3A_184 = arith.constant 8192 : i32
      %div3A_185 = arith.divsi %add3A_167, %jit3A_184 : i32
      %sign3A_186 = arith.constant 0 : i32
      %sign3A_187 = arith.cmpi sgt, %add3A_167, %sign3A_186 : i32
      %sign3A_188 = arith.extui %sign3A_187 : i1 to i32
      %sign3A_189 = arith.constant 0 : i32
      %sign3A_190 = arith.cmpi slt, %add3A_167, %sign3A_189 : i32
      %sign3A_191 = arith.extui %sign3A_190 : i1 to i32
      %sign3A_192 = arith.subi %sign3A_188, %sign3A_191 : i32
      %sign3A_193 = arith.constant 0 : i32
      %sign3A_194 = arith.cmpi sgt, %jit3A_184, %sign3A_193 : i32
      %sign3A_195 = arith.extui %sign3A_194 : i1 to i32
      %sign3A_196 = arith.constant 0 : i32
      %sign3A_197 = arith.cmpi slt, %jit3A_184, %sign3A_196 : i32
      %sign3A_198 = arith.extui %sign3A_197 : i1 to i32
      %sign3A_199 = arith.subi %sign3A_195, %sign3A_198 : i32
      %ne3A_200 = arith.cmpi ne, %sign3A_192, %sign3A_199 : i32
      %rem3A_201 = arith.remsi %add3A_167, %jit3A_184 : i32
      %ne3A_202 = arith.constant 0 : i32
      %ne3A_203 = arith.cmpi ne, %rem3A_201, %ne3A_202 : i32
      %and3A_204 = arith.andi %ne3A_200, %ne3A_203 : i1
      %sub3A_205 = arith.constant 1 : i32
      %sub3A_206 = arith.subi %div3A_185, %sub3A_205 : i32
      %select_n3A_207 = arith.select %and3A_204, %sub3A_206, %div3A_185 : i32
      %mul3A_208 = arith.constant 8192 : i32
      %mul3A_209 = arith.muli %select_n3A_207, %mul3A_208 : i32
      %sub3A_210 = arith.subi %add3A_167, %mul3A_209 : i32
      %dma_wait3A_211 = arith.constant 0 : i32
      %dma_wait3A_212 = arith.constant 0 : i32
      %dma_wait3A_213 = arith.constant 0 : i32
      %dma_wait3A_214 = arith.constant 0 : i32
      %dma_wait3A_215 = tpu.memref_slice %arg6[%dma_wait3A_211, %dma_wait3A_213, %dma_wait3A_214] : memref<2x16x1024xf32, #tpu.memory_space<vmem>> -> memref<1x16x1024xf32, #tpu.memory_space<vmem>>
      %dma_wait3A_216 = tpu.memref_squeeze %dma_wait3A_215 : memref<1x16x1024xf32, #tpu.memory_space<vmem>> -> memref<16x1024xf32, #tpu.memory_space<vmem>>
      %dma_wait3A_217 = arith.constant 0 : i32
      %dma_wait3A_218 = tpu.memref_slice %arg3[%sub3A_210, %dma_wait3A_217] : memref<16384x1024xf32, #tpu.memory_space<hbm>> -> memref<16x1024xf32, #tpu.memory_space<hbm>>
      %dma_wait3A_219 = tpu.memref_slice %arg9[%dma_wait3A_212] : memref<2x!tpu.dma_semaphore, #tpu.memory_space<semaphore_mem>> -> memref<1x!tpu.dma_semaphore, #tpu.memory_space<semaphore_mem>>
      %dma_wait3A_220 = tpu.memref_squeeze %dma_wait3A_219 : memref<1x!tpu.dma_semaphore, #tpu.memory_space<semaphore_mem>> -> memref<!tpu.dma_semaphore, #tpu.memory_space<semaphore_mem>>
      %dma_wait3A_221 = arith.constant 0 : i32
      %dma_wait3A_222 = arith.constant 0 : i32
      %dma_wait3A_223 = tpu.memref_slice %arg6[%dma_wait3A_211, %dma_wait3A_221, %dma_wait3A_222] : memref<2x16x1024xf32, #tpu.memory_space<vmem>> -> memref<1x16x1024xf32, #tpu.memory_space<vmem>>
      %dma_wait3A_224 = tpu.memref_squeeze %dma_wait3A_223 : memref<1x16x1024xf32, #tpu.memory_space<vmem>> -> memref<16x1024xf32, #tpu.memory_space<vmem>>
      %dma_wait3A_225 = arith.constant 0 : i32
      %dma_wait3A_226 = tpu.memref_slice %arg3[%sub3A_210, %dma_wait3A_225] : memref<16384x1024xf32, #tpu.memory_space<hbm>> -> memref<16x1024xf32, #tpu.memory_space<hbm>>
      tpu.wait_dma2 semaphore(%dma_wait3A_220 : memref<!tpu.dma_semaphore, #tpu.memory_space<semaphore_mem>>) src(%dma_wait3A_226 : memref<16x1024xf32, #tpu.memory_space<hbm>>) dst(%dma_wait3A_224 : memref<16x1024xf32, #tpu.memory_space<vmem>>)
      %gt3A = arith.constant 0 : i32
      %gt3A_227 = arith.cmpi sgt, %scan3A_160, %gt3A : i32
      %convert_element_type3A = arith.extui %gt3A_227 : i1 to i32
      %cond3A = arith.constant 0 : i32
      %cond3A_228 = arith.cmpi ne, %convert_element_type3A, %cond3A : i32
      scf.if %cond3A_228 {
        %sub3A_353 = arith.constant 32 : i32
        %sub3A_354 = arith.subi %add3A_167, %sub3A_353 : i32
        %dma_wait3A_355 = arith.constant 0 : i32
        %dma_wait3A_356 = arith.constant 0 : i32
        %dma_wait3A_357 = arith.constant 0 : i32
        %dma_wait3A_358 = arith.constant 0 : i32
        %dma_wait3A_359 = tpu.memref_slice %arg7[%dma_wait3A_355, %dma_wait3A_357, %dma_wait3A_358] : memref<2x16x1024xf32, #tpu.memory_space<vmem>> -> memref<1x16x1024xf32, #tpu.memory_space<vmem>>
        %dma_wait3A_360 = tpu.memref_squeeze %dma_wait3A_359 : memref<1x16x1024xf32, #tpu.memory_space<vmem>> -> memref<16x1024xf32, #tpu.memory_space<vmem>>
        %dma_wait3A_361 = arith.constant 0 : i32
        %dma_wait3A_362 = tpu.memref_slice %arg4[%sub3A_354, %dma_wait3A_361] : memref<32768x1024xf32, #tpu.memory_space<hbm>> -> memref<16x1024xf32, #tpu.memory_space<hbm>>
        %dma_wait3A_363 = tpu.memref_slice %arg10[%dma_wait3A_356] : memref<2x!tpu.dma_semaphore, #tpu.memory_space<semaphore_mem>> -> memref<1x!tpu.dma_semaphore, #tpu.memory_space<semaphore_mem>>
        %dma_wait3A_364 = tpu.memref_squeeze %dma_wait3A_363 : memref<1x!tpu.dma_semaphore, #tpu.memory_space<semaphore_mem>> -> memref<!tpu.dma_semaphore, #tpu.memory_space<semaphore_mem>>
        %dma_wait3A_365 = arith.constant 0 : i32
        %dma_wait3A_366 = tpu.memref_slice %arg4[%sub3A_354, %dma_wait3A_365] : memref<32768x1024xf32, #tpu.memory_space<hbm>> -> memref<16x1024xf32, #tpu.memory_space<hbm>>
        %dma_wait3A_367 = arith.constant 0 : i32
        %dma_wait3A_368 = arith.constant 0 : i32
        %dma_wait3A_369 = tpu.memref_slice %arg7[%dma_wait3A_355, %dma_wait3A_367, %dma_wait3A_368] : memref<2x16x1024xf32, #tpu.memory_space<vmem>> -> memref<1x16x1024xf32, #tpu.memory_space<vmem>>
        %dma_wait3A_370 = tpu.memref_squeeze %dma_wait3A_369 : memref<1x16x1024xf32, #tpu.memory_space<vmem>> -> memref<16x1024xf32, #tpu.memory_space<vmem>>
        tpu.wait_dma2 semaphore(%dma_wait3A_364 : memref<!tpu.dma_semaphore, #tpu.memory_space<semaphore_mem>>) src(%dma_wait3A_370 : memref<16x1024xf32, #tpu.memory_space<vmem>>) dst(%dma_wait3A_366 : memref<16x1024xf32, #tpu.memory_space<hbm>>)
      } else {
      }
      %scan3A_229 = arith.constant 0 : i32
      %scan3A_230 = arith.constant 0 : i32
      %scan3A_231 = arith.constant 16 : i32
      %scan3A_232 = arith.addi %scan3A_230, %scan3A_231 : i32
      %scan3A_233 = arith.constant 1 : i32
      scf.for %scan3A_353 = %scan3A_230 to %scan3A_232 step %scan3A_233  : i32 {
      }
      %scan3A_234 = arith.constant 16 : i32
      %dma_start3A_235 = arith.constant 0 : i32
      %dma_start3A_236 = arith.constant 0 : i32
      %dma_start3A_237 = arith.constant 0 : i32
      %dma_start3A_238 = arith.constant 0 : i32
      %dma_start3A_239 = tpu.memref_slice %arg7[%dma_start3A_235, %dma_start3A_237, %dma_start3A_238] : memref<2x16x1024xf32, #tpu.memory_space<vmem>> -> memref<1x16x1024xf32, #tpu.memory_space<vmem>>
      %dma_start3A_240 = tpu.memref_squeeze %dma_start3A_239 : memref<1x16x1024xf32, #tpu.memory_space<vmem>> -> memref<16x1024xf32, #tpu.memory_space<vmem>>
      %dma_start3A_241 = arith.constant 0 : i32
      %dma_start3A_242 = tpu.memref_slice %arg4[%add3A_167, %dma_start3A_241] : memref<32768x1024xf32, #tpu.memory_space<hbm>> -> memref<16x1024xf32, #tpu.memory_space<hbm>>
      %dma_start3A_243 = tpu.memref_slice %arg10[%dma_start3A_236] : memref<2x!tpu.dma_semaphore, #tpu.memory_space<semaphore_mem>> -> memref<1x!tpu.dma_semaphore, #tpu.memory_space<semaphore_mem>>
      %dma_start3A_244 = tpu.memref_squeeze %dma_start3A_243 : memref<1x!tpu.dma_semaphore, #tpu.memory_space<semaphore_mem>> -> memref<!tpu.dma_semaphore, #tpu.memory_space<semaphore_mem>>
      %dma_start3A_245 = arith.constant 0 : i32
      %dma_start3A_246 = tpu.memref_slice %arg4[%add3A_167, %dma_start3A_245] : memref<32768x1024xf32, #tpu.memory_space<hbm>> -> memref<16x1024xf32, #tpu.memory_space<hbm>>
      %dma_start3A_247 = arith.constant 0 : i32
      %dma_start3A_248 = arith.constant 0 : i32
      %dma_start3A_249 = tpu.memref_slice %arg7[%dma_start3A_235, %dma_start3A_247, %dma_start3A_248] : memref<2x16x1024xf32, #tpu.memory_space<vmem>> -> memref<1x16x1024xf32, #tpu.memory_space<vmem>>
      %dma_start3A_250 = tpu.memref_squeeze %dma_start3A_249 : memref<1x16x1024xf32, #tpu.memory_space<vmem>> -> memref<16x1024xf32, #tpu.memory_space<vmem>>
      tpu.enqueue_dma source(%dma_start3A_250 : memref<16x1024xf32, #tpu.memory_space<vmem>>) target(%dma_start3A_246 : memref<16x1024xf32, #tpu.memory_space<hbm>>) target_semaphore(%dma_start3A_244 : memref<!tpu.dma_semaphore, #tpu.memory_space<semaphore_mem>>)
      %lt3A = arith.constant 31 : i32
      %lt3A_251 = arith.cmpi slt, %scan3A_160, %lt3A : i32
      %convert_element_type3A_252 = arith.extui %lt3A_251 : i1 to i32
      %cond3A_253 = arith.constant 0 : i32
      %cond3A_254 = arith.cmpi ne, %convert_element_type3A_252, %cond3A_253 : i32
      scf.if %cond3A_254 {
        %add3A_353 = arith.constant 2 : i32
        %add3A_354 = arith.addi %add3A_164, %add3A_353 : i32
        %mul3A_355 = arith.constant 16 : i32
        %mul3A_356 = arith.muli %add3A_354, %mul3A_355 : i32
        %add3A_357 = arith.addi %mul3A_2, %mul3A_356 : i32
        %jit3A_358 = arith.constant 8192 : i32
        %div3A_359 = arith.divsi %add3A_357, %jit3A_358 : i32
        %sign3A_360 = arith.constant 0 : i32
        %sign3A_361 = arith.cmpi sgt, %add3A_357, %sign3A_360 : i32
        %sign3A_362 = arith.extui %sign3A_361 : i1 to i32
        %sign3A_363 = arith.constant 0 : i32
        %sign3A_364 = arith.cmpi slt, %add3A_357, %sign3A_363 : i32
        %sign3A_365 = arith.extui %sign3A_364 : i1 to i32
        %sign3A_366 = arith.subi %sign3A_362, %sign3A_365 : i32
        %sign3A_367 = arith.constant 0 : i32
        %sign3A_368 = arith.cmpi sgt, %jit3A_358, %sign3A_367 : i32
        %sign3A_369 = arith.extui %sign3A_368 : i1 to i32
        %sign3A_370 = arith.constant 0 : i32
        %sign3A_371 = arith.cmpi slt, %jit3A_358, %sign3A_370 : i32
        %sign3A_372 = arith.extui %sign3A_371 : i1 to i32
        %sign3A_373 = arith.subi %sign3A_369, %sign3A_372 : i32
        %ne3A_374 = arith.cmpi ne, %sign3A_366, %sign3A_373 : i32
        %rem3A_375 = arith.remsi %add3A_357, %jit3A_358 : i32
        %ne3A_376 = arith.constant 0 : i32
        %ne3A_377 = arith.cmpi ne, %rem3A_375, %ne3A_376 : i32
        %and3A_378 = arith.andi %ne3A_374, %ne3A_377 : i1
        %sub3A_379 = arith.constant 1 : i32
        %sub3A_380 = arith.subi %div3A_359, %sub3A_379 : i32
        %select_n3A_381 = arith.select %and3A_378, %sub3A_380, %div3A_359 : i32
        %mul3A_382 = arith.constant 8192 : i32
        %mul3A_383 = arith.muli %select_n3A_381, %mul3A_382 : i32
        %sub3A_384 = arith.subi %add3A_357, %mul3A_383 : i32
        %dma_start3A_385 = arith.constant 0 : i32
        %dma_start3A_386 = arith.constant 0 : i32
        %dma_start3A_387 = arith.constant 0 : i32
        %dma_start3A_388 = arith.constant 0 : i32
        %dma_start3A_389 = tpu.memref_slice %arg5[%dma_start3A_385, %dma_start3A_387, %dma_start3A_388] : memref<2x16x1024xf32, #tpu.memory_space<vmem>> -> memref<1x16x1024xf32, #tpu.memory_space<vmem>>
        %dma_start3A_390 = tpu.memref_squeeze %dma_start3A_389 : memref<1x16x1024xf32, #tpu.memory_space<vmem>> -> memref<16x1024xf32, #tpu.memory_space<vmem>>
        %dma_start3A_391 = arith.constant 0 : i32
        %dma_start3A_392 = tpu.memref_slice %arg2[%add3A_357, %dma_start3A_391] : memref<32768x1024xf32, #tpu.memory_space<hbm>> -> memref<16x1024xf32, #tpu.memory_space<hbm>>
        %dma_start3A_393 = tpu.memref_slice %arg8[%dma_start3A_386] : memref<2x!tpu.dma_semaphore, #tpu.memory_space<semaphore_mem>> -> memref<1x!tpu.dma_semaphore, #tpu.memory_space<semaphore_mem>>
        %dma_start3A_394 = tpu.memref_squeeze %dma_start3A_393 : memref<1x!tpu.dma_semaphore, #tpu.memory_space<semaphore_mem>> -> memref<!tpu.dma_semaphore, #tpu.memory_space<semaphore_mem>>
        %dma_start3A_395 = arith.constant 0 : i32
        %dma_start3A_396 = arith.constant 0 : i32
        %dma_start3A_397 = tpu.memref_slice %arg5[%dma_start3A_385, %dma_start3A_395, %dma_start3A_396] : memref<2x16x1024xf32, #tpu.memory_space<vmem>> -> memref<1x16x1024xf32, #tpu.memory_space<vmem>>
        %dma_start3A_398 = tpu.memref_squeeze %dma_start3A_397 : memref<1x16x1024xf32, #tpu.memory_space<vmem>> -> memref<16x1024xf32, #tpu.memory_space<vmem>>
        %dma_start3A_399 = arith.constant 0 : i32
        %dma_start3A_400 = tpu.memref_slice %arg2[%add3A_357, %dma_start3A_399] : memref<32768x1024xf32, #tpu.memory_space<hbm>> -> memref<16x1024xf32, #tpu.memory_space<hbm>>
        tpu.enqueue_dma source(%dma_start3A_400 : memref<16x1024xf32, #tpu.memory_space<hbm>>) target(%dma_start3A_398 : memref<16x1024xf32, #tpu.memory_space<vmem>>) target_semaphore(%dma_start3A_394 : memref<!tpu.dma_semaphore, #tpu.memory_space<semaphore_mem>>)
        %dma_start3A_401 = arith.constant 0 : i32
        %dma_start3A_402 = arith.constant 0 : i32
        %dma_start3A_403 = arith.constant 0 : i32
        %dma_start3A_404 = arith.constant 0 : i32
        %dma_start3A_405 = tpu.memref_slice %arg6[%dma_start3A_401, %dma_start3A_403, %dma_start3A_404] : memref<2x16x1024xf32, #tpu.memory_space<vmem>> -> memref<1x16x1024xf32, #tpu.memory_space<vmem>>
        %dma_start3A_406 = tpu.memref_squeeze %dma_start3A_405 : memref<1x16x1024xf32, #tpu.memory_space<vmem>> -> memref<16x1024xf32, #tpu.memory_space<vmem>>
        %dma_start3A_407 = arith.constant 0 : i32
        %dma_start3A_408 = tpu.memref_slice %arg3[%sub3A_384, %dma_start3A_407] : memref<16384x1024xf32, #tpu.memory_space<hbm>> -> memref<16x1024xf32, #tpu.memory_space<hbm>>
        %dma_start3A_409 = tpu.memref_slice %arg9[%dma_start3A_402] : memref<2x!tpu.dma_semaphore, #tpu.memory_space<semaphore_mem>> -> memref<1x!tpu.dma_semaphore, #tpu.memory_space<semaphore_mem>>
        %dma_start3A_410 = tpu.memref_squeeze %dma_start3A_409 : memref<1x!tpu.dma_semaphore, #tpu.memory_space<semaphore_mem>> -> memref<!tpu.dma_semaphore, #tpu.memory_space<semaphore_mem>>
        %dma_start3A_411 = arith.constant 0 : i32
        %dma_start3A_412 = arith.constant 0 : i32
        %dma_start3A_413 = tpu.memref_slice %arg6[%dma_start3A_401, %dma_start3A_411, %dma_start3A_412] : memref<2x16x1024xf32, #tpu.memory_space<vmem>> -> memref<1x16x1024xf32, #tpu.memory_space<vmem>>
        %dma_start3A_414 = tpu.memref_squeeze %dma_start3A_413 : memref<1x16x1024xf32, #tpu.memory_space<vmem>> -> memref<16x1024xf32, #tpu.memory_space<vmem>>
        %dma_start3A_415 = arith.constant 0 : i32
        %dma_start3A_416 = tpu.memref_slice %arg3[%sub3A_384, %dma_start3A_415] : memref<16384x1024xf32, #tpu.memory_space<hbm>> -> memref<16x1024xf32, #tpu.memory_space<hbm>>
        tpu.enqueue_dma source(%dma_start3A_416 : memref<16x1024xf32, #tpu.memory_space<hbm>>) target(%dma_start3A_414 : memref<16x1024xf32, #tpu.memory_space<vmem>>) target_semaphore(%dma_start3A_410 : memref<!tpu.dma_semaphore, #tpu.memory_space<semaphore_mem>>)
      } else {
      }
      %mul3A_255 = arith.constant 2 : i32
      %mul3A_256 = arith.muli %scan3A_160, %mul3A_255 : i32
      %add3A_257 = arith.constant 1 : i32
      %add3A_258 = arith.addi %mul3A_256, %add3A_257 : i32
      %mul3A_259 = arith.constant 16 : i32
      %mul3A_260 = arith.muli %add3A_258, %mul3A_259 : i32
      %add3A_261 = arith.addi %mul3A_2, %mul3A_260 : i32
      %dma_wait3A_262 = arith.constant 1 : i32
      %dma_wait3A_263 = arith.constant 1 : i32
      %dma_wait3A_264 = arith.constant 0 : i32
      %dma_wait3A_265 = arith.constant 0 : i32
      %dma_wait3A_266 = tpu.memref_slice %arg5[%dma_wait3A_262, %dma_wait3A_264, %dma_wait3A_265] : memref<2x16x1024xf32, #tpu.memory_space<vmem>> -> memref<1x16x1024xf32, #tpu.memory_space<vmem>>
      %dma_wait3A_267 = tpu.memref_squeeze %dma_wait3A_266 : memref<1x16x1024xf32, #tpu.memory_space<vmem>> -> memref<16x1024xf32, #tpu.memory_space<vmem>>
      %dma_wait3A_268 = arith.constant 0 : i32
      %dma_wait3A_269 = tpu.memref_slice %arg2[%add3A_261, %dma_wait3A_268] : memref<32768x1024xf32, #tpu.memory_space<hbm>> -> memref<16x1024xf32, #tpu.memory_space<hbm>>
      %dma_wait3A_270 = tpu.memref_slice %arg8[%dma_wait3A_263] : memref<2x!tpu.dma_semaphore, #tpu.memory_space<semaphore_mem>> -> memref<1x!tpu.dma_semaphore, #tpu.memory_space<semaphore_mem>>
      %dma_wait3A_271 = tpu.memref_squeeze %dma_wait3A_270 : memref<1x!tpu.dma_semaphore, #tpu.memory_space<semaphore_mem>> -> memref<!tpu.dma_semaphore, #tpu.memory_space<semaphore_mem>>
      %dma_wait3A_272 = arith.constant 0 : i32
      %dma_wait3A_273 = arith.constant 0 : i32
      %dma_wait3A_274 = tpu.memref_slice %arg5[%dma_wait3A_262, %dma_wait3A_272, %dma_wait3A_273] : memref<2x16x1024xf32, #tpu.memory_space<vmem>> -> memref<1x16x1024xf32, #tpu.memory_space<vmem>>
      %dma_wait3A_275 = tpu.memref_squeeze %dma_wait3A_274 : memref<1x16x1024xf32, #tpu.memory_space<vmem>> -> memref<16x1024xf32, #tpu.memory_space<vmem>>
      %dma_wait3A_276 = arith.constant 0 : i32
      %dma_wait3A_277 = tpu.memref_slice %arg2[%add3A_261, %dma_wait3A_276] : memref<32768x1024xf32, #tpu.memory_space<hbm>> -> memref<16x1024xf32, #tpu.memory_space<hbm>>
      tpu.wait_dma2 semaphore(%dma_wait3A_271 : memref<!tpu.dma_semaphore, #tpu.memory_space<semaphore_mem>>) src(%dma_wait3A_277 : memref<16x1024xf32, #tpu.memory_space<hbm>>) dst(%dma_wait3A_275 : memref<16x1024xf32, #tpu.memory_space<vmem>>)
      %jit3A_278 = arith.constant 8192 : i32
      %div3A_279 = arith.divsi %add3A_261, %jit3A_278 : i32
      %sign3A_280 = arith.constant 0 : i32
      %sign3A_281 = arith.cmpi sgt, %add3A_261, %sign3A_280 : i32
      %sign3A_282 = arith.extui %sign3A_281 : i1 to i32
      %sign3A_283 = arith.constant 0 : i32
      %sign3A_284 = arith.cmpi slt, %add3A_261, %sign3A_283 : i32
      %sign3A_285 = arith.extui %sign3A_284 : i1 to i32
      %sign3A_286 = arith.subi %sign3A_282, %sign3A_285 : i32
      %sign3A_287 = arith.constant 0 : i32
      %sign3A_288 = arith.cmpi sgt, %jit3A_278, %sign3A_287 : i32
      %sign3A_289 = arith.extui %sign3A_288 : i1 to i32
      %sign3A_290 = arith.constant 0 : i32
      %sign3A_291 = arith.cmpi slt, %jit3A_278, %sign3A_290 : i32
      %sign3A_292 = arith.extui %sign3A_291 : i1 to i32
      %sign3A_293 = arith.subi %sign3A_289, %sign3A_292 : i32
      %ne3A_294 = arith.cmpi ne, %sign3A_286, %sign3A_293 : i32
      %rem3A_295 = arith.remsi %add3A_261, %jit3A_278 : i32
      %ne3A_296 = arith.constant 0 : i32
      %ne3A_297 = arith.cmpi ne, %rem3A_295, %ne3A_296 : i32
      %and3A_298 = arith.andi %ne3A_294, %ne3A_297 : i1
      %sub3A_299 = arith.constant 1 : i32
      %sub3A_300 = arith.subi %div3A_279, %sub3A_299 : i32
      %select_n3A_301 = arith.select %and3A_298, %sub3A_300, %div3A_279 : i32
      %mul3A_302 = arith.constant 8192 : i32
      %mul3A_303 = arith.muli %select_n3A_301, %mul3A_302 : i32
      %sub3A_304 = arith.subi %add3A_261, %mul3A_303 : i32
      %dma_wait3A_305 = arith.constant 1 : i32
      %dma_wait3A_306 = arith.constant 1 : i32
      %dma_wait3A_307 = arith.constant 0 : i32
      %dma_wait3A_308 = arith.constant 0 : i32
      %dma_wait3A_309 = tpu.memref_slice %arg6[%dma_wait3A_305, %dma_wait3A_307, %dma_wait3A_308] : memref<2x16x1024xf32, #tpu.memory_space<vmem>> -> memref<1x16x1024xf32, #tpu.memory_space<vmem>>
      %dma_wait3A_310 = tpu.memref_squeeze %dma_wait3A_309 : memref<1x16x1024xf32, #tpu.memory_space<vmem>> -> memref<16x1024xf32, #tpu.memory_space<vmem>>
      %dma_wait3A_311 = arith.constant 0 : i32
      %dma_wait3A_312 = tpu.memref_slice %arg3[%sub3A_304, %dma_wait3A_311] : memref<16384x1024xf32, #tpu.memory_space<hbm>> -> memref<16x1024xf32, #tpu.memory_space<hbm>>
      %dma_wait3A_313 = tpu.memref_slice %arg9[%dma_wait3A_306] : memref<2x!tpu.dma_semaphore, #tpu.memory_space<semaphore_mem>> -> memref<1x!tpu.dma_semaphore, #tpu.memory_space<semaphore_mem>>
      %dma_wait3A_314 = tpu.memref_squeeze %dma_wait3A_313 : memref<1x!tpu.dma_semaphore, #tpu.memory_space<semaphore_mem>> -> memref<!tpu.dma_semaphore, #tpu.memory_space<semaphore_mem>>
      %dma_wait3A_315 = arith.constant 0 : i32
      %dma_wait3A_316 = arith.constant 0 : i32
      %dma_wait3A_317 = tpu.memref_slice %arg6[%dma_wait3A_305, %dma_wait3A_315, %dma_wait3A_316] : memref<2x16x1024xf32, #tpu.memory_space<vmem>> -> memref<1x16x1024xf32, #tpu.memory_space<vmem>>
      %dma_wait3A_318 = tpu.memref_squeeze %dma_wait3A_317 : memref<1x16x1024xf32, #tpu.memory_space<vmem>> -> memref<16x1024xf32, #tpu.memory_space<vmem>>
      %dma_wait3A_319 = arith.constant 0 : i32
      %dma_wait3A_320 = tpu.memref_slice %arg3[%sub3A_304, %dma_wait3A_319] : memref<16384x1024xf32, #tpu.memory_space<hbm>> -> memref<16x1024xf32, #tpu.memory_space<hbm>>
      tpu.wait_dma2 semaphore(%dma_wait3A_314 : memref<!tpu.dma_semaphore, #tpu.memory_space<semaphore_mem>>) src(%dma_wait3A_320 : memref<16x1024xf32, #tpu.memory_space<hbm>>) dst(%dma_wait3A_318 : memref<16x1024xf32, #tpu.memory_space<vmem>>)
      %gt3A_321 = arith.constant 0 : i32
      %gt3A_322 = arith.cmpi sgt, %scan3A_160, %gt3A_321 : i32
      %convert_element_type3A_323 = arith.extui %gt3A_322 : i1 to i32
      %cond3A_324 = arith.constant 0 : i32
      %cond3A_325 = arith.cmpi ne, %convert_element_type3A_323, %cond3A_324 : i32
      scf.if %cond3A_325 {
        %sub3A_353 = arith.constant 32 : i32
        %sub3A_354 = arith.subi %add3A_261, %sub3A_353 : i32
        %dma_wait3A_355 = arith.constant 1 : i32
        %dma_wait3A_356 = arith.constant 1 : i32
        %dma_wait3A_357 = arith.constant 0 : i32
        %dma_wait3A_358 = arith.constant 0 : i32
        %dma_wait3A_359 = tpu.memref_slice %arg7[%dma_wait3A_355, %dma_wait3A_357, %dma_wait3A_358] : memref<2x16x1024xf32, #tpu.memory_space<vmem>> -> memref<1x16x1024xf32, #tpu.memory_space<vmem>>
        %dma_wait3A_360 = tpu.memref_squeeze %dma_wait3A_359 : memref<1x16x1024xf32, #tpu.memory_space<vmem>> -> memref<16x1024xf32, #tpu.memory_space<vmem>>
        %dma_wait3A_361 = arith.constant 0 : i32
        %dma_wait3A_362 = tpu.memref_slice %arg4[%sub3A_354, %dma_wait3A_361] : memref<32768x1024xf32, #tpu.memory_space<hbm>> -> memref<16x1024xf32, #tpu.memory_space<hbm>>
        %dma_wait3A_363 = tpu.memref_slice %arg10[%dma_wait3A_356] : memref<2x!tpu.dma_semaphore, #tpu.memory_space<semaphore_mem>> -> memref<1x!tpu.dma_semaphore, #tpu.memory_space<semaphore_mem>>
        %dma_wait3A_364 = tpu.memref_squeeze %dma_wait3A_363 : memref<1x!tpu.dma_semaphore, #tpu.memory_space<semaphore_mem>> -> memref<!tpu.dma_semaphore, #tpu.memory_space<semaphore_mem>>
        %dma_wait3A_365 = arith.constant 0 : i32
        %dma_wait3A_366 = tpu.memref_slice %arg4[%sub3A_354, %dma_wait3A_365] : memref<32768x1024xf32, #tpu.memory_space<hbm>> -> memref<16x1024xf32, #tpu.memory_space<hbm>>
        %dma_wait3A_367 = arith.constant 0 : i32
        %dma_wait3A_368 = arith.constant 0 : i32
        %dma_wait3A_369 = tpu.memref_slice %arg7[%dma_wait3A_355, %dma_wait3A_367, %dma_wait3A_368] : memref<2x16x1024xf32, #tpu.memory_space<vmem>> -> memref<1x16x1024xf32, #tpu.memory_space<vmem>>
        %dma_wait3A_370 = tpu.memref_squeeze %dma_wait3A_369 : memref<1x16x1024xf32, #tpu.memory_space<vmem>> -> memref<16x1024xf32, #tpu.memory_space<vmem>>
        tpu.wait_dma2 semaphore(%dma_wait3A_364 : memref<!tpu.dma_semaphore, #tpu.memory_space<semaphore_mem>>) src(%dma_wait3A_370 : memref<16x1024xf32, #tpu.memory_space<vmem>>) dst(%dma_wait3A_366 : memref<16x1024xf32, #tpu.memory_space<hbm>>)
      } else {
      }
      %scan3A_326 = arith.constant 0 : i32
      %scan3A_327 = arith.constant 0 : i32
      %scan3A_328 = arith.constant 16 : i32
      %scan3A_329 = arith.addi %scan3A_327, %scan3A_328 : i32
      %scan3A_330 = arith.constant 1 : i32
      scf.for %scan3A_353 = %scan3A_327 to %scan3A_329 step %scan3A_330  : i32 {
      }
      %scan3A_331 = arith.constant 16 : i32
      %dma_start3A_332 = arith.constant 1 : i32
      %dma_start3A_333 = arith.constant 1 : i32
      %dma_start3A_334 = arith.constant 0 : i32
      %dma_start3A_335 = arith.constant 0 : i32
      %dma_start3A_336 = tpu.memref_slice %arg7[%dma_start3A_332, %dma_start3A_334, %dma_start3A_335] : memref<2x16x1024xf32, #tpu.memory_space<vmem>> -> memref<1x16x1024xf32, #tpu.memory_space<vmem>>
      %dma_start3A_337 = tpu.memref_squeeze %dma_start3A_336 : memref<1x16x1024xf32, #tpu.memory_space<vmem>> -> memref<16x1024xf32, #tpu.memory_space<vmem>>
      %dma_start3A_338 = arith.constant 0 : i32
      %dma_start3A_339 = tpu.memref_slice %arg4[%add3A_261, %dma_start3A_338] : memref<32768x1024xf32, #tpu.memory_space<hbm>> -> memref<16x1024xf32, #tpu.memory_space<hbm>>
      %dma_start3A_340 = tpu.memref_slice %arg10[%dma_start3A_333] : memref<2x!tpu.dma_semaphore, #tpu.memory_space<semaphore_mem>> -> memref<1x!tpu.dma_semaphore, #tpu.memory_space<semaphore_mem>>
      %dma_start3A_341 = tpu.memref_squeeze %dma_start3A_340 : memref<1x!tpu.dma_semaphore, #tpu.memory_space<semaphore_mem>> -> memref<!tpu.dma_semaphore, #tpu.memory_space<semaphore_mem>>
      %dma_start3A_342 = arith.constant 0 : i32
      %dma_start3A_343 = tpu.memref_slice %arg4[%add3A_261, %dma_start3A_342] : memref<32768x1024xf32, #tpu.memory_space<hbm>> -> memref<16x1024xf32, #tpu.memory_space<hbm>>
      %dma_start3A_344 = arith.constant 0 : i32
      %dma_start3A_345 = arith.constant 0 : i32
      %dma_start3A_346 = tpu.memref_slice %arg7[%dma_start3A_332, %dma_start3A_344, %dma_start3A_345] : memref<2x16x1024xf32, #tpu.memory_space<vmem>> -> memref<1x16x1024xf32, #tpu.memory_space<vmem>>
      %dma_start3A_347 = tpu.memref_squeeze %dma_start3A_346 : memref<1x16x1024xf32, #tpu.memory_space<vmem>> -> memref<16x1024xf32, #tpu.memory_space<vmem>>
      tpu.enqueue_dma source(%dma_start3A_347 : memref<16x1024xf32, #tpu.memory_space<vmem>>) target(%dma_start3A_343 : memref<16x1024xf32, #tpu.memory_space<hbm>>) target_semaphore(%dma_start3A_341 : memref<!tpu.dma_semaphore, #tpu.memory_space<semaphore_mem>>)
      %lt3A_348 = arith.constant 31 : i32
      %lt3A_349 = arith.cmpi slt, %scan3A_160, %lt3A_348 : i32
      %convert_element_type3A_350 = arith.extui %lt3A_349 : i1 to i32
      %cond3A_351 = arith.constant 0 : i32
      %cond3A_352 = arith.cmpi ne, %convert_element_type3A_350, %cond3A_351 : i32
      scf.if %cond3A_352 {
        %add3A_353 = arith.constant 2 : i32
        %add3A_354 = arith.addi %add3A_258, %add3A_353 : i32
        %mul3A_355 = arith.constant 16 : i32
        %mul3A_356 = arith.muli %add3A_354, %mul3A_355 : i32
        %add3A_357 = arith.addi %mul3A_2, %mul3A_356 : i32
        %jit3A_358 = arith.constant 8192 : i32
        %div3A_359 = arith.divsi %add3A_357, %jit3A_358 : i32
        %sign3A_360 = arith.constant 0 : i32
        %sign3A_361 = arith.cmpi sgt, %add3A_357, %sign3A_360 : i32
        %sign3A_362 = arith.extui %sign3A_361 : i1 to i32
        %sign3A_363 = arith.constant 0 : i32
        %sign3A_364 = arith.cmpi slt, %add3A_357, %sign3A_363 : i32
        %sign3A_365 = arith.extui %sign3A_364 : i1 to i32
        %sign3A_366 = arith.subi %sign3A_362, %sign3A_365 : i32
        %sign3A_367 = arith.constant 0 : i32
        %sign3A_368 = arith.cmpi sgt, %jit3A_358, %sign3A_367 : i32
        %sign3A_369 = arith.extui %sign3A_368 : i1 to i32
        %sign3A_370 = arith.constant 0 : i32
        %sign3A_371 = arith.cmpi slt, %jit3A_358, %sign3A_370 : i32
        %sign3A_372 = arith.extui %sign3A_371 : i1 to i32
        %sign3A_373 = arith.subi %sign3A_369, %sign3A_372 : i32
        %ne3A_374 = arith.cmpi ne, %sign3A_366, %sign3A_373 : i32
        %rem3A_375 = arith.remsi %add3A_357, %jit3A_358 : i32
        %ne3A_376 = arith.constant 0 : i32
        %ne3A_377 = arith.cmpi ne, %rem3A_375, %ne3A_376 : i32
        %and3A_378 = arith.andi %ne3A_374, %ne3A_377 : i1
        %sub3A_379 = arith.constant 1 : i32
        %sub3A_380 = arith.subi %div3A_359, %sub3A_379 : i32
        %select_n3A_381 = arith.select %and3A_378, %sub3A_380, %div3A_359 : i32
        %mul3A_382 = arith.constant 8192 : i32
        %mul3A_383 = arith.muli %select_n3A_381, %mul3A_382 : i32
        %sub3A_384 = arith.subi %add3A_357, %mul3A_383 : i32
        %dma_start3A_385 = arith.constant 1 : i32
        %dma_start3A_386 = arith.constant 1 : i32
        %dma_start3A_387 = arith.constant 0 : i32
        %dma_start3A_388 = arith.constant 0 : i32
        %dma_start3A_389 = tpu.memref_slice %arg5[%dma_start3A_385, %dma_start3A_387, %dma_start3A_388] : memref<2x16x1024xf32, #tpu.memory_space<vmem>> -> memref<1x16x1024xf32, #tpu.memory_space<vmem>>
        %dma_start3A_390 = tpu.memref_squeeze %dma_start3A_389 : memref<1x16x1024xf32, #tpu.memory_space<vmem>> -> memref<16x1024xf32, #tpu.memory_space<vmem>>
        %dma_start3A_391 = arith.constant 0 : i32
        %dma_start3A_392 = tpu.memref_slice %arg2[%add3A_357, %dma_start3A_391] : memref<32768x1024xf32, #tpu.memory_space<hbm>> -> memref<16x1024xf32, #tpu.memory_space<hbm>>
        %dma_start3A_393 = tpu.memref_slice %arg8[%dma_start3A_386] : memref<2x!tpu.dma_semaphore, #tpu.memory_space<semaphore_mem>> -> memref<1x!tpu.dma_semaphore, #tpu.memory_space<semaphore_mem>>
        %dma_start3A_394 = tpu.memref_squeeze %dma_start3A_393 : memref<1x!tpu.dma_semaphore, #tpu.memory_space<semaphore_mem>> -> memref<!tpu.dma_semaphore, #tpu.memory_space<semaphore_mem>>
        %dma_start3A_395 = arith.constant 0 : i32
        %dma_start3A_396 = arith.constant 0 : i32
        %dma_start3A_397 = tpu.memref_slice %arg5[%dma_start3A_385, %dma_start3A_395, %dma_start3A_396] : memref<2x16x1024xf32, #tpu.memory_space<vmem>> -> memref<1x16x1024xf32, #tpu.memory_space<vmem>>
        %dma_start3A_398 = tpu.memref_squeeze %dma_start3A_397 : memref<1x16x1024xf32, #tpu.memory_space<vmem>> -> memref<16x1024xf32, #tpu.memory_space<vmem>>
        %dma_start3A_399 = arith.constant 0 : i32
        %dma_start3A_400 = tpu.memref_slice %arg2[%add3A_357, %dma_start3A_399] : memref<32768x1024xf32, #tpu.memory_space<hbm>> -> memref<16x1024xf32, #tpu.memory_space<hbm>>
        tpu.enqueue_dma source(%dma_start3A_400 : memref<16x1024xf32, #tpu.memory_space<hbm>>) target(%dma_start3A_398 : memref<16x1024xf32, #tpu.memory_space<vmem>>) target_semaphore(%dma_start3A_394 : memref<!tpu.dma_semaphore, #tpu.memory_space<semaphore_mem>>)
        %dma_start3A_401 = arith.constant 1 : i32
        %dma_start3A_402 = arith.constant 1 : i32
        %dma_start3A_403 = arith.constant 0 : i32
        %dma_start3A_404 = arith.constant 0 : i32
        %dma_start3A_405 = tpu.memref_slice %arg6[%dma_start3A_401, %dma_start3A_403, %dma_start3A_404] : memref<2x16x1024xf32, #tpu.memory_space<vmem>> -> memref<1x16x1024xf32, #tpu.memory_space<vmem>>
        %dma_start3A_406 = tpu.memref_squeeze %dma_start3A_405 : memref<1x16x1024xf32, #tpu.memory_space<vmem>> -> memref<16x1024xf32, #tpu.memory_space<vmem>>
        %dma_start3A_407 = arith.constant 0 : i32
        %dma_start3A_408 = tpu.memref_slice %arg3[%sub3A_384, %dma_start3A_407] : memref<16384x1024xf32, #tpu.memory_space<hbm>> -> memref<16x1024xf32, #tpu.memory_space<hbm>>
        %dma_start3A_409 = tpu.memref_slice %arg9[%dma_start3A_402] : memref<2x!tpu.dma_semaphore, #tpu.memory_space<semaphore_mem>> -> memref<1x!tpu.dma_semaphore, #tpu.memory_space<semaphore_mem>>
        %dma_start3A_410 = tpu.memref_squeeze %dma_start3A_409 : memref<1x!tpu.dma_semaphore, #tpu.memory_space<semaphore_mem>> -> memref<!tpu.dma_semaphore, #tpu.memory_space<semaphore_mem>>
        %dma_start3A_411 = arith.constant 0 : i32
        %dma_start3A_412 = arith.constant 0 : i32
        %dma_start3A_413 = tpu.memref_slice %arg6[%dma_start3A_401, %dma_start3A_411, %dma_start3A_412] : memref<2x16x1024xf32, #tpu.memory_space<vmem>> -> memref<1x16x1024xf32, #tpu.memory_space<vmem>>
        %dma_start3A_414 = tpu.memref_squeeze %dma_start3A_413 : memref<1x16x1024xf32, #tpu.memory_space<vmem>> -> memref<16x1024xf32, #tpu.memory_space<vmem>>
        %dma_start3A_415 = arith.constant 0 : i32
        %dma_start3A_416 = tpu.memref_slice %arg3[%sub3A_384, %dma_start3A_415] : memref<16384x1024xf32, #tpu.memory_space<hbm>> -> memref<16x1024xf32, #tpu.memory_space<hbm>>
        tpu.enqueue_dma source(%dma_start3A_416 : memref<16x1024xf32, #tpu.memory_space<hbm>>) target(%dma_start3A_414 : memref<16x1024xf32, #tpu.memory_space<vmem>>) target_semaphore(%dma_start3A_410 : memref<!tpu.dma_semaphore, #tpu.memory_space<semaphore_mem>>)
      } else {
      }
    }
    %scan3A_120 = arith.constant 32 : i32
    %add3A_121 = arith.constant 992 : i32
    %add3A_122 = arith.addi %mul3A_2, %add3A_121 : i32
    %add3A_123 = arith.constant 0 : i32
    %add3A_124 = arith.addi %add3A_122, %add3A_123 : i32
    %dma_wait3A = arith.constant 0 : i32
    %dma_wait3A_125 = arith.constant 0 : i32
    %dma_wait3A_126 = arith.constant 0 : i32
    %dma_wait3A_127 = arith.constant 0 : i32
    %dma_wait3A_128 = tpu.memref_slice %arg7[%dma_wait3A, %dma_wait3A_126, %dma_wait3A_127] : memref<2x16x1024xf32, #tpu.memory_space<vmem>> -> memref<1x16x1024xf32, #tpu.memory_space<vmem>>
    %dma_wait3A_129 = tpu.memref_squeeze %dma_wait3A_128 : memref<1x16x1024xf32, #tpu.memory_space<vmem>> -> memref<16x1024xf32, #tpu.memory_space<vmem>>
    %dma_wait3A_130 = arith.constant 0 : i32
    %dma_wait3A_131 = tpu.memref_slice %arg4[%add3A_124, %dma_wait3A_130] : memref<32768x1024xf32, #tpu.memory_space<hbm>> -> memref<16x1024xf32, #tpu.memory_space<hbm>>
    %dma_wait3A_132 = tpu.memref_slice %arg10[%dma_wait3A_125] : memref<2x!tpu.dma_semaphore, #tpu.memory_space<semaphore_mem>> -> memref<1x!tpu.dma_semaphore, #tpu.memory_space<semaphore_mem>>
    %dma_wait3A_133 = tpu.memref_squeeze %dma_wait3A_132 : memref<1x!tpu.dma_semaphore, #tpu.memory_space<semaphore_mem>> -> memref<!tpu.dma_semaphore, #tpu.memory_space<semaphore_mem>>
    %dma_wait3A_134 = arith.constant 0 : i32
    %dma_wait3A_135 = tpu.memref_slice %arg4[%add3A_124, %dma_wait3A_134] : memref<32768x1024xf32, #tpu.memory_space<hbm>> -> memref<16x1024xf32, #tpu.memory_space<hbm>>
    %dma_wait3A_136 = arith.constant 0 : i32
    %dma_wait3A_137 = arith.constant 0 : i32
    %dma_wait3A_138 = tpu.memref_slice %arg7[%dma_wait3A, %dma_wait3A_136, %dma_wait3A_137] : memref<2x16x1024xf32, #tpu.memory_space<vmem>> -> memref<1x16x1024xf32, #tpu.memory_space<vmem>>
    %dma_wait3A_139 = tpu.memref_squeeze %dma_wait3A_138 : memref<1x16x1024xf32, #tpu.memory_space<vmem>> -> memref<16x1024xf32, #tpu.memory_space<vmem>>
    tpu.wait_dma2 semaphore(%dma_wait3A_133 : memref<!tpu.dma_semaphore, #tpu.memory_space<semaphore_mem>>) src(%dma_wait3A_139 : memref<16x1024xf32, #tpu.memory_space<vmem>>) dst(%dma_wait3A_135 : memref<16x1024xf32, #tpu.memory_space<hbm>>)
    %add3A_140 = arith.constant 992 : i32
    %add3A_141 = arith.addi %mul3A_2, %add3A_140 : i32
    %add3A_142 = arith.constant 16 : i32
    %add3A_143 = arith.addi %add3A_141, %add3A_142 : i32
    %dma_wait3A_144 = arith.constant 1 : i32
    %dma_wait3A_145 = arith.constant 1 : i32
    %dma_wait3A_146 = arith.constant 0 : i32
    %dma_wait3A_147 = arith.constant 0 : i32
    %dma_wait3A_148 = tpu.memref_slice %arg7[%dma_wait3A_144, %dma_wait3A_146, %dma_wait3A_147] : memref<2x16x1024xf32, #tpu.memory_space<vmem>> -> memref<1x16x1024xf32, #tpu.memory_space<vmem>>
    %dma_wait3A_149 = tpu.memref_squeeze %dma_wait3A_148 : memref<1x16x1024xf32, #tpu.memory_space<vmem>> -> memref<16x1024xf32, #tpu.memory_space<vmem>>
    %dma_wait3A_150 = arith.constant 0 : i32
    %dma_wait3A_151 = tpu.memref_slice %arg4[%add3A_143, %dma_wait3A_150] : memref<32768x1024xf32, #tpu.memory_space<hbm>> -> memref<16x1024xf32, #tpu.memory_space<hbm>>
    %dma_wait3A_152 = tpu.memref_slice %arg10[%dma_wait3A_145] : memref<2x!tpu.dma_semaphore, #tpu.memory_space<semaphore_mem>> -> memref<1x!tpu.dma_semaphore, #tpu.memory_space<semaphore_mem>>
    %dma_wait3A_153 = tpu.memref_squeeze %dma_wait3A_152 : memref<1x!tpu.dma_semaphore, #tpu.memory_space<semaphore_mem>> -> memref<!tpu.dma_semaphore, #tpu.memory_space<semaphore_mem>>
    %dma_wait3A_154 = arith.constant 0 : i32
    %dma_wait3A_155 = tpu.memref_slice %arg4[%add3A_143, %dma_wait3A_154] : memref<32768x1024xf32, #tpu.memory_space<hbm>> -> memref<16x1024xf32, #tpu.memory_space<hbm>>
    %dma_wait3A_156 = arith.constant 0 : i32
    %dma_wait3A_157 = arith.constant 0 : i32
    %dma_wait3A_158 = tpu.memref_slice %arg7[%dma_wait3A_144, %dma_wait3A_156, %dma_wait3A_157] : memref<2x16x1024xf32, #tpu.memory_space<vmem>> -> memref<1x16x1024xf32, #tpu.memory_space<vmem>>
    %dma_wait3A_159 = tpu.memref_squeeze %dma_wait3A_158 : memref<1x16x1024xf32, #tpu.memory_space<vmem>> -> memref<16x1024xf32, #tpu.memory_space<vmem>>
    tpu.wait_dma2 semaphore(%dma_wait3A_153 : memref<!tpu.dma_semaphore, #tpu.memory_space<semaphore_mem>>) src(%dma_wait3A_159 : memref<16x1024xf32, #tpu.memory_space<vmem>>) dst(%dma_wait3A_155 : memref<16x1024xf32, #tpu.memory_space<hbm>>)
    return
  }
}

</mosaic_0001>

<sc_bundles>
// kernel: kernel.3.cloned.1.call-start
scs
__scs_entry_jumppad:
0x0: {  	(pc) =	sbr.rel $0x88, $3  }
0x1: {  	(tag) =	ssettag $0x0;
	lr =	simm.s32 $0x1  }
0x2: {  	[smem:$0x3F9F] =	sst lr;
	_ =	strace $0xD0000000  }
0x3: {  	_ = 	snop  }
0x4: {  	_ = 	snop  }
0x5: {  	_ = 	snop  }
0x6: {  	_ = 	snop  }
0x7: {  	_ = 	snop  }
__scs_overlays_trampoline_lowered:
0x8: {  	[smem:$0x3FAE] =	sst s0  }
0x9: {  	[smem:$0x3FAF] =	sst s1  }
0xa: {  	[smem:$0x3FB0] =	sst s2  }
0xb: {  	[smem:$0x3FB1] =	sst s3  }
0xc: {  	[smem:$0x3FB2] =	sst s4  }
0xd: {  	[smem:$0x3FB3] =	sst s5  }
0xe: {  	[smem:$0x3FB4] =	sst s6  }
0xf: {  	[smem:$0x3FB5] =	sst s7  }
0x10: {  	[smem:$0x3FB6] =	sst s8  }
0x11: {  	[smem:$0x3FB7] =	sst s9;
	s0 =	simm.s32 @!p0 $0x0  }
0x12: {  	s1 =	sld [smem:$0x3F9D];
	s0 =	simm.s32 @p0 $0x1  }
0x13: {  	[smem:$0x3FB8] =	sst s0;
	s0 =	simm.s32 @!p1 $0x0  }
0x14: {  	s2 =	sld [smem:$0x3F9C];
	s0 =	simm.s32 @p1 $0x1  }
0x15: {  	[smem:$0x3FB9] =	sst s0;
	s0 =	simm.s32 @!p2 $0x0  }
0x16: {  	s3 =	sld [smem:$0x3FDB];
	s0 =	simm.s32 @p2 $0x1  }
0x17: {  	s4 =	simm.s32 $0x1BF5;
	[smem:$0x3FBB] =	sst s0  }
0x18: {  	s0 =	sld [smem:$0x3F9E];
	_ =	swait.ge [sflag:s4], $0x0  }
0x19: {  	s7 =	sld [smem:$0x3F9F]  }
0x1a: {  	s8 =	sadd.s32 $0xFFFFE003, lr  }
0x1b: {  	s9 =	sadd.s32 $0xFFFFFEF7, lr;
	s5 =	simm.s32 $0xFFFFFFFF;
	p2 =	slt.u32 s8, $0xFFFFF086  }
0x1c: {  	p1 =	slt.u32 s9, $0xF7A;
	s5 =	simm.s32 @!p2 $0x0  }
0x1d: {  	s5 =	simm.s32 @p1 $0x1;
	p0 =	seq.s32 s7, s2  }
0x1e: {  	s7 =	smul.u32 @!p0 $0xF7A, s2;
	p2 =	seq.s32 @!p0 s5, $0x0  }
0x1f: {  	s9 =	smul.u32 $0xF7A, s1;
	s8 =	simm.s32 @!p0 $0x1BF5;
	p2 =	por !p2, p0  }
0x20: {  	[sflag:s8] =	ssyncset.s32 @!p0 $0xFFFFF086;
	s6 =	sadd.s32 @!p0 s3, s7;
	s7 =	simm.s32 @!p0 $0x108  }
0x21: {  	s3 =	sadd.s32 s3, s9;
	s6 =	sadd.s32 @!p0 $0x88, s6;
	s7 =	simm.s32 @p2 $0x1082  }
0x22: {  	[simem:s7], [sflag:s8] =	dma.local @!p0 [hbm:s6], $0xF7A  }
0x23: {  	s9 =	sor.u32 $0xD0000000, s2;
	s6 =	simm.s32 $0x108;
	_ =	swait.ge @!p0 [sflag:s8], $0x0  }
0x24: {  	s3 =	sadd.s32 $0x88, s3;
	s6 =	simm.s32 @!p1 $0x1082;
	[sflag:s4] =	ssyncset.s32 $0xFFFFF086  }
0x25: {  	[simem:s6], [sflag:s4] =	dma.local [hbm:s3], $0xF7A  }
0x26: {  	[smem:$0x3F9F] =	sst s1;
	(tag) =	ssettag s2;
	_ =	strace s9  }
0x27: {  	s1 =	sld [smem:$0x3FAF]  }
0x28: {  	s2 =	sld [smem:$0x3FB0]  }
0x29: {  	s4 =	sld [smem:$0x3FB2]  }
0x2a: {  	p0 =	seq.s32 s5, $0x0;
	s5 =	sld [smem:$0x3FB3]  }
0x2b: {  	s6 =	sld [smem:$0x3FB4]  }
0x2c: {  	s7 =	sld [smem:$0x3FB5]  }
0x2d: {  	s3 =	simm.s32 $0x108;
	s8 =	sld [smem:$0x3FB6]  }
0x2e: {  	s3 =	simm.s32 @!p0 $0x1082;
	s9 =	sld [smem:$0x3FB7]  }
0x2f: {  	lr =	sadd.s32 s0, s3;
	s0 =	sld [smem:$0x3FAE]  }
0x30: {  	s3 =	sld [smem:$0x3FB1]  }
0x31: {  	[smem:$0x3FBA] =	sst s10  }
0x32: {  	s10 =	sld [smem:$0x3FB8];
	_ =	sdelay $0x3  }
0x33: {  	p0 =	seq.s32 s10, $0x1;
	s10 =	sld [smem:$0x3FBA];
	_ =	sdelay $0x3  }
0x34: {  	[smem:$0x3FBA] =	sst s10  }
0x35: {  	s10 =	sld [smem:$0x3FB9];
	_ =	sdelay $0x3  }
0x36: {  	p1 =	seq.s32 s10, $0x1;
	s10 =	sld [smem:$0x3FBA];
	_ =	sdelay $0x3  }
0x37: {  	[smem:$0x3FBA] =	sst s10  }
0x38: {  	s10 =	sld [smem:$0x3FBB]  }
0x39: {  	_ = 	snop;
	(pc) =	sbr.ind lr, $3  }
0x3a: {  	_ = 	snop  }
0x3b: {  	_ = 	snop  }
0x3c: {  	p2 =	seq.s32 s10, $0x1;
	s10 =	sld [smem:$0x3FBA]  }
0x3d: {  	_ =	shalt  }
0x3e: {  	_ =	shalt  }
0x3f: {  	_ =	shalt  }
0x40: {  	_ =	shalt  }
0x41: {  	_ =	shalt  }
0x42: {  	_ =	shalt  }
0x43: {  	_ =	shalt  }
0x44: {  	_ =	shalt  }
0x45: {  	_ =	shalt  }
0x46: {  	_ =	shalt  }
0x47: {  	_ =	shalt  }
0x48: {  	_ =	shalt  }
0x49: {  	_ =	shalt  }
0x4a: {  	_ =	shalt  }
0x4b: {  	_ =	shalt  }
0x4c: {  	_ =	shalt  }
0x4d: {  	_ =	shalt  }
0x4e: {  	_ =	shalt  }
0x4f: {  	_ =	shalt  }
0x50: {  	_ =	shalt  }
0x51: {  	_ =	shalt  }
0x52: {  	_ =	shalt  }
0x53: {  	_ =	shalt  }
0x54: {  	_ =	shalt  }
0x55: {  	_ =	shalt  }
0x56: {  	_ =	shalt  }
0x57: {  	_ =	shalt  }
0x58: {  	_ =	shalt  }
0x59: {  	_ =	shalt  }
0x5a: {  	_ =	shalt  }
0x5b: {  	_ =	shalt  }
0x5c: {  	_ =	shalt  }
0x5d: {  	_ =	shalt  }
0x5e: {  	_ =	shalt  }
0x5f: {  	_ =	shalt  }
0x60: {  	_ =	shalt  }
0x61: {  	_ =	shalt  }
0x62: {  	_ =	shalt  }
0x63: {  	_ =	shalt  }
0x64: {  	_ =	shalt  }
0x65: {  	_ =	shalt  }
0x66: {  	_ =	shalt  }
0x67: {  	_ =	shalt  }
0x68: {  	_ =	shalt  }
0x69: {  	_ =	shalt  }
0x6a: {  	_ =	shalt  }
0x6b: {  	_ =	shalt  }
0x6c: {  	_ =	shalt  }
0x6d: {  	_ =	shalt  }
0x6e: {  	_ =	shalt  }
0x6f: {  	_ =	shalt  }
0x70: {  	_ =	shalt  }
0x71: {  	_ =	shalt  }
0x72: {  	_ =	shalt  }
0x73: {  	_ =	shalt  }
0x74: {  	_ =	shalt  }
0x75: {  	_ =	shalt  }
0x76: {  	_ =	shalt  }
0x77: {  	_ =	shalt  }
0x78: {  	_ =	shalt  }
0x79: {  	_ =	shalt  }
0x7a: {  	_ =	shalt  }
0x7b: {  	_ =	shalt  }
0x7c: {  	_ =	shalt  }
0x7d: {  	_ =	shalt  }
0x7e: {  	_ =	shalt  }
0x7f: {  	_ =	shalt  }
0x80: {  	_ =	shalt  }
0x81: {  	_ =	shalt  }
0x82: {  	_ =	shalt  }
0x83: {  	_ =	shalt  }
0x84: {  	_ =	shalt  }
0x85: {  	_ =	shalt  }
0x86: {  	_ =	shalt  }
0x87: {  	_ =	shalt  }
.Lfunc_end0:
.L_simem_size_0:
called_computation_lowered:
.L_overlay_start_0:
0x88: {  	s2 =	sld [smem:$0x3FD9]  }
0x89: {  	s3 =	sld [smem:$0x3FFE];
	_ =	sdelay $0x1  }
0x8a: {  	s1 =	srdreg.scid  }
0x8b: {  	s0 =	sand.u32 $0x1, s1  }
0x8c: {  	s18 =	sshll.u32 s0, $0xA;
	s2 =	sadd.s32 s3, s2  }
0x8d: {  	s2 =	sadd.s32 s2, s18  }
0x8e: {  	[smem:$0x3FC6] =	sst s2  }
0x8f: {  	_ = 	snop  }
0x90: {  	s2 =	sld [smem:$0x3FC9]  }
0x91: {  	s19 =	sld [smem:$0x3FC8]  }
0x92: {  	s4 =	sld [smem:$0x3FD0];
	(tm) =	ssettm $0x1  }
0x93: {  	s5 =	sld [smem:$0x3FFB];
	_ =	sdelay $0x3  }
0x94: {  	_ =	strace s5  }
0x95: {  	s5 =	sld [smem:$0x3FFC];
	_ =	sdelay $0x3  }
0x96: {  	_ =	strace s5  }
0x97: {  	s5 =	sld [smem:$0x3FFD];
	_ =	sdelay $0x3  }
0x98: {  	_ =	strace s5  }
0x99: {  	_ =	strace $0x8FFFFFFF  }
0x9a: {  	s20 =	sld [smem:$0x3FDB];
	_ =	sdelay $0x1  }
0x9b: {  	s6 =	simm.s32 $_scs_section_size  }
0x9c: {  	s7 =	simm.s32 $_size__tile_overlayer_lowered;
	s8 =	simm.s32 $_tile_overlayer_lowered  }
0x9d: {  	s23 =	simm.s32 $0x1BFF;
	s22 =	sshll.u32 s8, $0x1;
	s5 =	sadd.s32 s6, s20  }
0x9e: {  	s9 =	simm.s32 $0x0;
	s21 =	sshll.u32 s7, $0x1;
	s7 =	sadd.s32 s22, s5  }
0x9f: {  	[timem:s9], [sflag:s23] =	dma.local [hbm:s7], s21  }
0xa0: {  	_ =	swait.ge [sflag:s23], s21  }
0xa1: {  	s6 =	ssub.s32 $0x0, s21;
	[sflag:s23] =	ssyncset.done $0x0  }
0xa2: {  	[sflag:s23] =	ssyncadd.s32 s6;
	_ =	sdelay $0x1  }
0xa3: {  	s24 =	simm.s32 $0x1B8B  }
0xa4: {  	_ =	swait.ge [sflag:s24], $0x1  }
0xa5: {  	[sflag:s24] =	ssyncset.done $0x0  }
0xa6: {  	s25 =	simm.s32 $0x1B8E;
	[sflag:s24] =	ssyncadd.s32 $0xFFFFFFFF  }
0xa7: {  	s26 =	simm.s32 $execute0_lowered;
	[smem:$0x3FD2] =	sst s25  }
0xa8: {  	s6 =	sshll.u32 s26, $0x1;
	_ =	strace $0x80000046;
	[dreg:$0x1] =	wrdreg $0xFFFFFFFF  }
0xa9: {  	s28 =	simm.s32 $_size_execute0_lowered;
	s5 =	sadd.s32 s5, s6;
	[dreg:$0x0] =	wrdreg $0x0  }
0xaa: {  	s6 =	sshll.u32 s28, $0x1;
	[dreg:$0x2] =	wrdreg s5  }
0xab: {  	[dreg:$0x3] =	wrdreg s6  }
0xac: {  	[dreg:$0x4] =	wrdreg $0xC0  }
0xad: {  	_ =	task [dreg:s9], $0x5FFFF  }
0xae: {  	[dreg:$0x1] =	wrdreg $0xFFFFFFFF  }
0xaf: {  	[dreg:$0x0] =	wrdreg $0x60  }
0xb0: {  	[dreg:$0x2] =	wrdreg s2  }
0xb1: {  	[dreg:$0x3] =	wrdreg s19  }
0xb2: {  	[dreg:$0x4] =	wrdreg s4  }
0xb3: {  	[dreg:$0x5] =	wrdreg $0x9  }
0xb4: {  	_ =	task.clear_ibuf [dreg:s9], $0x6FFFF;
	_ =	strace $0x90000046  }
0xb5: {  	s29 =	simm.s32 $0x9;
	_ =	strace $0x80000048  }
0xb6: {  	_ =	swait.ge [sflag:s29], $0x1  }
0xb7: {  	[sflag:s29] =	ssyncadd.s32 $0xFFFFFFFF  }
0xb8: {  	_ =	strace $0x90000048  }
0xb9: {  	_ =	sfence  }
0xba: {  	s30 =	sld [smem:$0x0];
	_ =	sdelay $0x2  }
0xbb: {  	s31 =	sshll.u32 s1, $0xD;
	s1 =	sshrl.u32 s1, $0x2  }
0xbc: {  	s3 =	sand.u32 $0x4000, s31;
	s1 =	sadd.s32 s1, s30  }
0xbd: {  	s0 =	sor.u32 s3, s0;
	s1 =	sshll.u32 s1, $0x11  }
0xbe: {  	s0 =	sor.u32 s1, s0  }
0xbf: {  	s0 =	sadd.s32 $0x8F2B, s0  }
0xc0: {  	[sflag:s0] =	ssyncadd.remote.s32 $0x1  }
0xc1: {  	_ =	sfence.sel $0xFFFF  }
0xc2: {  	[dreg:$0x0] =	wrdreg $0xFFFFFFFF;
	(pc) =	sbr.abs _section_cstart, $3  }
0xc3: {  	[dreg:$0x1] =	wrdreg $0xFFFFFFFF  }
0xc4: {  	_ =	task.clear_ibuf [dreg:s9], $0x2FFFF;
	_ =	strace $0x9FFFFFFF  }
0xc5: {  	(tm) =	ssettm $0x7FFFFFFF  }
tec
execute0_lowered:
.L_overlay_start_1:
0x0: {  	(tag) =	ssettag $0x1  }
0x1: {  	s17 =	rddreg [dreg:$0x0]  }
0x2: {  	s1 =	rddreg [dreg:$0x1]  }
0x3: {  	s14 =	rddreg [dreg:$0x2];
	s3 =	simm.s32 $0x0;
	s4 =	srdreg.scid  }
0x4: {  	s0 =	stileid.u32;
	s20 =	simm.s32 $0xC000;
	s21 =	simm.s32 $0x1  }
0x5: {  	s22 =	simm.s32 $0x3;
	s28 =	simm.s32 $0x5;
	s29 =	simm.s32 $0x6  }
0x6: {  	s30 =	simm.s32 $0x0;
	[smem:$0x7FF] =	sst s3;
	s15 =	sand.u32 $0x1, s4  }
0x7: {  	s5 =	sshll.u32 s0, $0xB;
	s23 =	sshll.u32 s0, $0x15;
	s18 =	sshll.u32 s0, $0x12  }
0x8: {  	s4 =	ssub.s32 $0x2, s15;
	s6 =	sshll.u32 s15, $0xA;
	_ =	strace $0x80000047  }
0x9: {  	s24 =	sand.u32 $0x1800000, s23;
	s19 =	sshll.u32 s15, $0x11;
	s31 =	sadd.s32 s18, s14  }
0xa: {  	s23 =	simm.s32 $0x10000;
	s7 =	sshrl.u32 s4, $0x1;
	s5 =	sor.u32 s6, s5  }
0xb: {  	s9 =	ssub.s32 s4, s7;
	s13 =	sshll.u32 s5, $0x7;
	s6 =	sshll.u32 s5, $0xA  }
0xc: {  	s5 =	sor.u32 $0x10, s5;
	s2 =	sadd.s32 s17, s13;
	s6 =	ssub.s32 s6, s24  }
0xd: {  	s8 =	sshll.u32 s5, $0xA;
	s10 =	sshll.u32 s5, $0x7;
	s11 =	sor.u32 $0x1000, s13  }
0xe: {  	s9 =	smax.u32 s9, $0x1;
	s16 =	sor.u32 $0x1800, s13;
	[dreg:$0x4] =	wrdreg s2  }
0xf: {  	s6 =	sshrl.u32 s6, $0x3;
	s7 =	ssub.s32 s8, s24;
	s8 =	sadd.s32 s14, s13  }
0x10: {  	s13 =	sadd.s32 s17, s16;
	s26 =	sand.u32 $0xE1800, s16;
	s14 =	sor.u32 s19, s18  }
0x11: {  	s16 =	sadd.s32 s19, s31;
	s18 =	simm.s32 $0x8000;
	s19 =	simm.s32 $0x4000  }
.Ltmp0:
0x12: {  	s24 =	simm.s32 $0x2;
	s25 =	sadd.s32 s1, s6;
	(pc) =	sbr.rel .LBB2_1-.Ltmp0, $4  }
0x13: {  	s6 =	sadd.s32 s17, s10;
	s7 =	sshrl.u32 s7, $0x3;
	s10 =	sadd.s32 s17, s11  }
0x14: {  	s11 =	sand.u32 $0xE1000, s11;
	s12 =	sadd.s32 $0x800, s8;
	s15 =	sadd.s32 s1, s26  }
0x15: {  	s17 =	sadd.s32 s17, s14;
	s26 =	simm.s32 $0x14000;
	[dreg:$0x5] =	wrdreg s25  }
0x16: {  	s7 =	sadd.s32 s1, s7;
	s11 =	sadd.s32 s1, s11;
	s25 =	simm.s32 $0x4  }
.LBB2_4:
0x17: {  	s30 =	sadd.s32 $0x1, s30  }
0x18: {  	_ =	swait.ge [sflag:s28], $0x4000;
	p0 =	sne.s32 s30, s9  }
.Ltmp1:
0x19: {  	[sflag:s28] =	ssyncset.done $0x0;
	(pc) =	sbr.rel @!p0 .LBB2_5-.Ltmp1, $4  }
0x1a: {  	[sflag:s28] =	ssyncadd.s32 $0xFFFFC000  }
0x1b: {  	_ =	swait.ge [sflag:s29], $0x4000  }
0x1c: {  	[sflag:s29] =	ssyncset.done $0x0  }
0x1d: {  	[sflag:s29] =	ssyncadd.s32 $0xFFFFC000  }
.LBB2_1:
0x1e: {  	s0 =	rddreg [dreg:$0x4]  }
0x1f: {  	[tilespmem:s3], [sflag:$0x1] =	stream.linear.gather [hbm4b:s0+s3], $0x4000, $0x38;
	[tilespmem:$0x18000] =	vst v63  }
0x20: {  	s5 =	rddreg [dreg:$0x5]  }
0x21: {  	[tilespmem:s18], [sflag:$0x3] =	stream.linear.gather [hbm4b:s5+s3], $0x4000, $0x38;
	[tilespmem:$0x18000] =	vst v63  }
0x22: {  	_ = 	snop  }
0x23: {  	[tilespmem:s19], [sflag:$0x2] =	stream.linear.gather [hbm4b:s6+s3], $0x4000, $0x38;
	[tilespmem:$0x18000] =	vst v63  }
0x24: {  	_ = 	snop  }
0x25: {  	[tilespmem:s20], [sflag:$0x4] =	stream.linear.gather [hbm4b:s7+s3], $0x4000, $0x38;
	[tilespmem:$0x18000] =	vst v63  }
0x26: {  	_ =	swait.ge [sflag:s21], $0x4000  }
0x27: {  	[sflag:s21] =	ssyncset.done $0x0  }
0x28: {  	[sflag:s21] =	ssyncadd.s32 $0xFFFFC000  }
0x29: {  	_ =	swait.ge [sflag:s22], $0x4000  }
0x2a: {  	[sflag:s22] =	ssyncset.done $0x0  }
0x2b: {  	[sflag:s22] =	ssyncadd.s32 $0xFFFFC000  }
0x2c: {  	[hbm4b:s8+s3] =	stream.linear.scatter [tilespmem:s23], [sflag:$0x5], $0x4000, $0x38;
	[tilespmem:$0x18000] =	vst v63  }
0x2d: {  	_ = 	snop  }
0x2e: {  	[tilespmem:s3], [sflag:$0x1] =	stream.linear.gather [hbm4b:s10+s3], $0x4000, $0x38;
	[tilespmem:$0x18000] =	vst v63  }
0x2f: {  	_ = 	snop  }
0x30: {  	[tilespmem:s18], [sflag:$0x3] =	stream.linear.gather [hbm4b:s11+s3], $0x4000, $0x38;
	[tilespmem:$0x18000] =	vst v63  }
0x31: {  	_ =	swait.ge [sflag:s24], $0x4000  }
0x32: {  	[sflag:s24] =	ssyncset.done $0x0  }
0x33: {  	[sflag:s24] =	ssyncadd.s32 $0xFFFFC000  }
0x34: {  	_ =	swait.ge [sflag:s25], $0x4000  }
0x35: {  	[sflag:s25] =	ssyncset.done $0x0  }
0x36: {  	[sflag:s25] =	ssyncadd.s32 $0xFFFFC000  }
0x37: {  	[hbm4b:s12+s3] =	stream.linear.scatter [tilespmem:s26], [sflag:$0x6], $0x4000, $0x38;
	[tilespmem:$0x18000] =	vst v63  }
0x38: {  	_ = 	snop  }
0x39: {  	[tilespmem:s19], [sflag:$0x2] =	stream.linear.gather [hbm4b:s13+s3], $0x4000, $0x38;
	[tilespmem:$0x18000] =	vst v63  }
0x3a: {  	s31 =	simm.s32 $0x0  }
0x3b: {  	[tilespmem:s20], [sflag:$0x4] =	stream.linear.gather [hbm4b:s15+s3], $0x4000, $0x38;
	[tilespmem:$0x18000] =	vst v63  }
.LBB2_2:
0x3c: {  	_ =	swait.ge [sflag:s21], $0x4000  }
0x3d: {  	[sflag:s21] =	ssyncset.done $0x0  }
0x3e: {  	[sflag:s21] =	ssyncadd.s32 $0xFFFFC000  }
0x3f: {  	_ =	swait.ge [sflag:s22], $0x4000  }
0x40: {  	[sflag:s22] =	ssyncset.done $0x0  }
0x41: {  	[sflag:s22] =	ssyncadd.s32 $0xFFFFC000  }
0x42: {  	_ =	swait.ge [sflag:s28], $0x4000  }
0x43: {  	s0 =	sadd.s32 s31, s16;
	[sflag:s28] =	ssyncset.done $0x0  }
0x44: {  	p0 =	seq.s32 s31, $0x1E000;
	s2 =	sadd.s32 $0x1000, s0;
	[sflag:s28] =	ssyncadd.s32 $0xFFFFC000  }
0x45: {  	[hbm4b:s2+s3] =	stream.linear.scatter [tilespmem:s23], [sflag:$0x5], $0x4000, $0x38;
	[tilespmem:$0x18000] =	vst v63  }
0x46: {  	s4 =	sadd.s32 @!p0 s31, s17;
	s2 =	sadd.s32 @!p0 s31, s14  }
0x47: {  	s5 =	simm.s32 @!p0 $0x0;
	s4 =	sadd.s32 @!p0 $0x2000, s4;
	s2 =	sadd.s32 @!p0 $0x2000, s2  }
0x48: {  	[tilespmem:s5], [sflag:$0x1] =	stream.linear.gather @!p0 [hbm4b:s4+s5], $0x4000, $0x38;
	[tilespmem:$0x18000] =	vst v63  }
0x49: {  	s2 =	sand.u32 @!p0 $0xFF000, s2  }
0x4a: {  	s4 =	simm.s32 @!p0 $0x8000;
	s2 =	sadd.s32 @!p0 s1, s2  }
0x4b: {  	[tilespmem:s4], [sflag:$0x3] =	stream.linear.gather @!p0 [hbm4b:s2+s5], $0x4000, $0x38;
	[tilespmem:$0x18000] =	vst v63  }
0x4c: {  	_ =	swait.ge [sflag:s24], $0x4000  }
0x4d: {  	[sflag:s24] =	ssyncset.done $0x0  }
0x4e: {  	[sflag:s24] =	ssyncadd.s32 $0xFFFFC000  }
0x4f: {  	_ =	swait.ge [sflag:s25], $0x4000  }
0x50: {  	[sflag:s25] =	ssyncset.done $0x0  }
.Ltmp2:
0x51: {  	[sflag:s25] =	ssyncadd.s32 $0xFFFFC000;
	(pc) =	sbr.rel @p0 .LBB2_4-.Ltmp2, $4  }
0x52: {  	_ =	swait.ge [sflag:s29], $0x4000  }
0x53: {  	[sflag:s29] =	ssyncset.done $0x0  }
0x54: {  	s0 =	sadd.s32 $0x1800, s0;
	[sflag:s29] =	ssyncadd.s32 $0xFFFFC000  }
0x55: {  	[hbm4b:s0+s3] =	stream.linear.scatter [tilespmem:s26], [sflag:$0x6], $0x4000, $0x38;
	[tilespmem:$0x18000] =	vst v63  }
0x56: {  	s0 =	sadd.s32 s31, s14;
	s2 =	sadd.s32 s31, s17  }
.Ltmp3:
0x57: {  	s0 =	sadd.s32 $0x2800, s0;
	s2 =	sadd.s32 $0x2800, s2;
	(pc) =	sbr.rel .LBB2_2-.Ltmp3, $4  }
0x58: {  	[tilespmem:s19], [sflag:$0x2] =	stream.linear.gather [hbm4b:s2+s3], $0x4000, $0x38;
	[tilespmem:$0x18000] =	vst v63  }
0x59: {  	s0 =	sand.u32 $0xFF800, s0  }
0x5a: {  	s31 =	sadd.s32 $0x1000, s31;
	s0 =	sadd.s32 s1, s0  }
0x5b: {  	[tilespmem:s20], [sflag:$0x4] =	stream.linear.gather [hbm4b:s0+s3], $0x4000, $0x38;
	[tilespmem:$0x18000] =	vst v63  }
.LBB2_5:
0x5c: {  	_ =	sfence.sel $0x180000  }
0x5d: {  	[bflag:$0x0] =	sbarrier.arrive $0xFFFF  }
0x5e: {  	_ =	strace $0x90000047  }
0x5f: {  	s0 =	stileid.u32;
	[bflag:$0x2] =	sbarrier.arrive $0xFFFF  }
0x60: {  	p0 =	sne.s32 s0, $0x0;
	s0 =	rddreg [dreg:$0x3]  }
0x61: {  	s0 =	sadd.s32 @!p0 $0x100000, s0  }
0x62: {  	[sflag:s0] =	ssyncadd.tile.s32 @!p0 $0x1;
	_ =	shalt  }
.Lfunc_end2:
_tile_overlayer_lowered:
.L_overlay_start_2:
0x63: {  	(tag) =	ssettag $0x2  }
0x64: {  	s0 =	rddreg [dreg:$0x0];
	s2 =	stileid.u32  }
0x65: {  	s1 =	rddreg [dreg:$0x1];
	p0 =	sne.s32 s2, $0x0  }
0x66: {  	s3 =	rddreg [dreg:$0x2];
	[bflag:$0x3] =	sbarrier.arrive $0xFFFF;
	s2 =	simm.s32 @!p0 $0x1C07  }
0x67: {  	[timem:s3], [sflag:s2] =	dma.local @!p0 [hbm:s0], s1  }
0x68: {  	s0 =	simm.s32 @!p0 $0x7  }
0x69: {  	_ =	swait.ge @!p0 [sflag:s0], s1  }
0x6a: {  	s1 =	ssub.s32 @!p0 $0x0, s1;
	[sflag:s0] =	ssyncset.done @!p0 $0x0  }
0x6b: {  	[sflag:s0] =	ssyncadd.s32 @!p0 s1  }
0x6c: {  	[bflag:$0x3] =	sbarrier.arrive $0xFFFF  }
0x6d: {  	_ =	shalt  }

</sc_bundles>
